<compile_context>
chip_gen: v7x
topology: tpu7x:2x2x1
jax: 0.10.2.dev20260603
libtpu: 0.0.44.dev20260713+nightly
codegen_flags: <defaults>
</compile_context>

<pallas_src>
import functools

import jax
import jax.numpy as jnp
from jax import lax
from jax.experimental import pallas as pl
from jax.experimental.pallas import tpu as pltpu
from jax.experimental.pallas import tpu_sc as plsc

D_MODEL = 128
MAX_LEN = 100000
N = 1024 * 200

_NC, _NS = 2, 16
_NW = _NC * _NS
_ROWS_PER_W = N // _NW
_CHUNK = 256
_NCHUNK = _ROWS_PER_W // _CHUNK

_MESH = plsc.VectorSubcoreMesh(core_axis_name="c", subcore_axis_name="s")


@functools.partial(
    pl.kernel,
    out_type=jax.ShapeDtypeStruct((N, D_MODEL), jnp.float32),
    mesh=_MESH,
    scratch_types=[
        pltpu.VMEM((_ROWS_PER_W,), jnp.int32),
        pltpu.VMEM((_CHUNK, D_MODEL), jnp.float32),
        pltpu.SemaphoreType.DMA,
    ],
)
def _gather_rows(table_hbm, idx_hbm, out_hbm, idx_v, rows_v, sem):
    wid = lax.axis_index("s") * _NC + lax.axis_index("c")
    base = wid * _ROWS_PER_W
    pltpu.sync_copy(idx_hbm.at[pl.ds(base, _ROWS_PER_W)], idx_v)

    def body(c, _):
        pltpu.async_copy(
            table_hbm.at[idx_v.at[pl.ds(c * _CHUNK, _CHUNK)]], rows_v, sem
        ).wait()
        pltpu.sync_copy(rows_v, out_hbm.at[pl.ds(base + c * _CHUNK, _CHUNK)])
        return 0

    lax.fori_loop(0, _NCHUNK, body, 0)


def kernel(positions, pe_weight):
    b, s = positions.shape
    flat = positions.reshape(-1).astype(jnp.int32)
    i = jnp.arange(N, dtype=jnp.int32)
    fp = jnp.full((MAX_LEN,), N, dtype=jnp.int32).at[flat].min(i)
    g = fp[flat]
    cum = jnp.cumsum(g == i).astype(jnp.int32) - 1
    mapped = cum[g]
    out = _gather_rows(pe_weight, mapped)
    return out.reshape(b, s, D_MODEL)

# --- scband reference (transcript-rebuilt; emitter-appended) ---
"""Pipeline reference for scband-learned-positional-encoding-88974542504028 (READ-ONLY COPY).

The authoritative reference and input builder live on the scoring server;
editing this copy changes nothing except your own understanding.
"""

import jax, jax.numpy as jnp
import numpy as np

D_MODEL = 128
MAX_LEN = 100000
BATCH = 1024
SEQ = 200


def _map_positions(positions):
    # Faithful jax translation of the dynamic positon2idx mapping:
    # each distinct position value is assigned an index equal to the order of its
    # first occurrence when scanning positions in row-major order.
    shape = positions.shape
    flat = positions.reshape(-1).astype(jnp.int32)
    n = flat.shape[0]
    order = jnp.argsort(flat)  # stable sort: within equal values, original index order preserved
    sv = flat[order]
    is_first = jnp.concatenate([jnp.ones((1,), dtype=bool), sv[1:] != sv[:-1]])
    gid_sorted = (jnp.cumsum(is_first) - 1).astype(jnp.int32)
    # first occurrence (min flat index) per group; padded groups get sentinel n
    first_idx = jnp.full((n,), n, dtype=jnp.int32).at[gid_sorted].min(order.astype(jnp.int32))
    # rank groups by first-occurrence order -> the positon2idx index
    rank = jnp.argsort(jnp.argsort(first_idx)).astype(jnp.int32)
    # scatter group ids back to original element order
    gid = jnp.zeros((n,), dtype=jnp.int32).at[order].set(gid_sorted)
    mapped = rank[gid]
    return mapped.reshape(shape)


def setup_inputs(seed: int = 0) -> dict:
    key = jax.random.key(seed)
    k1, k2 = jax.random.split(key)
    positions = jax.random.randint(k1, (BATCH, SEQ), 0, MAX_LEN, dtype=jnp.int32)
    # nn.Embedding(max_len, d_model) weight, default init N(0, 1)
    pe_weight = jax.random.normal(k2, (MAX_LEN, D_MODEL), dtype=jnp.float32)
    return {"positions": positions, "pe_weight": pe_weight}


def reference(positions, pe_weight):
    positions_mapped = _map_positions(positions)
    pe = jnp.take(pe_weight, positions_mapped, axis=0)
    # dropout_prob = 0.0 -> identity (eval-mode dropout)
    return pe

if __name__ == "__main__":
    import jax
    _d = setup_inputs()
    print(jax.jit(kernel)(*tuple(_d.values())))

</pallas_src>

<mosaic_0001>
#map = affine_map<(d0, d1) -> (0, 0)>
#map1 = affine_map<(d0, d1) -> (0)>
module attributes {stable_mosaic.version = 14 : i64} {
  func.func @_gather_rows(%arg0: i32, %arg1: i32, %arg2: memref<100000x128xf32, #tpu.memory_space<hbm>>, %arg3: memref<204800xi32, #tpu.memory_space<hbm>>, %arg4: memref<204800x128xf32, #tpu.memory_space<hbm>>, %arg5: memref<6400xi32, #tpu.memory_space<vmem>>, %arg6: memref<256x128xf32, #tpu.memory_space<vmem>>, %arg7: memref<!tpu.dma_semaphore, #tpu.memory_space<semaphore_mem>>) attributes {dimension_semantics = [#tpu.dimension_semantics<core_parallel>, #tpu.dimension_semantics<subcore_parallel>], iteration_bounds = array<i64: 2, 16>, scalar_prefetch = 0 : i64, scratch_operands = 3 : i64, tpu.core_type = #tpu.core_type<sc_vector_subcore>, window_params = [{transform_indices = #map}, {transform_indices = #map1}, {transform_indices = #map}]} {
    %mul3A = arith.constant 2 : i32
    %mul3A_0 = arith.muli %arg1, %mul3A : i32
    %add3A = arith.addi %mul3A_0, %arg0 : i32
    %mul3A_1 = arith.constant 6400 : i32
    %mul3A_2 = arith.muli %add3A, %mul3A_1 : i32
    "tpu.region"() ({
      %run_scoped3A = tpu.sem_alloc : memref<!tpu.dma_semaphore, #tpu.memory_space<semaphore_mem>>
      %dma_start3A = tpu.memref_slice %arg3[%mul3A_2] : memref<204800xi32, #tpu.memory_space<hbm>> -> memref<6400xi32, #tpu.memory_space<hbm>>
      %dma_start3A_9 = tpu.memref_slice %arg3[%mul3A_2] : memref<204800xi32, #tpu.memory_space<hbm>> -> memref<6400xi32, #tpu.memory_space<hbm>>
      tpu.enqueue_dma source(%dma_start3A_9 : memref<6400xi32, #tpu.memory_space<hbm>>) target(%arg5 : memref<6400xi32, #tpu.memory_space<vmem>>) target_semaphore(%run_scoped3A : memref<!tpu.dma_semaphore, #tpu.memory_space<semaphore_mem>>)
      %dma_wait3A = tpu.memref_slice %arg3[%mul3A_2] : memref<204800xi32, #tpu.memory_space<hbm>> -> memref<6400xi32, #tpu.memory_space<hbm>>
      %dma_wait3A_10 = tpu.memref_slice %arg3[%mul3A_2] : memref<204800xi32, #tpu.memory_space<hbm>> -> memref<6400xi32, #tpu.memory_space<hbm>>
      tpu.wait_dma2 semaphore(%run_scoped3A : memref<!tpu.dma_semaphore, #tpu.memory_space<semaphore_mem>>) src(%dma_wait3A_10 : memref<6400xi32, #tpu.memory_space<hbm>>) dst(%arg5 : memref<6400xi32, #tpu.memory_space<vmem>>)
      tpu.yield
    }) : () -> ()
    %scan3A = arith.constant 0 : i32
    %scan3A_3 = arith.constant 0 : i32
    %scan3A_4 = arith.constant 25 : i32
    %scan3A_5 = arith.addi %scan3A_3, %scan3A_4 : i32
    %scan3A_6 = arith.constant 1 : i32
    %scan3A_7 = scf.for %scan3A_9 = %scan3A_3 to %scan3A_5 step %scan3A_6 iter_args(%scan3A_10 = %scan3A) -> (i32)  : i32 {
      %mul3A_11 = arith.constant 256 : i32
      %mul3A_12 = arith.muli %scan3A_9, %mul3A_11 : i32
      %dma_start3A = tpu.memref_slice %arg5[%mul3A_12] : memref<6400xi32, #tpu.memory_space<vmem>> -> memref<256xi32, #tpu.memory_space<vmem>>
      %dma_start3A_13 = arith.constant 0 : i32
      %dma_start3A_14 = arith.constant 0 : i32
      %dma_start3A_15 = tpu.memref_slice %arg2[%dma_start3A_13, %dma_start3A_14] : memref<100000x128xf32, #tpu.memory_space<hbm>> -> memref<100000x128xf32, #tpu.memory_space<hbm>>
      tpu.enqueue_indirect_dma source(%dma_start3A_15 : memref<100000x128xf32, #tpu.memory_space<hbm>>) target(%arg6 : memref<256x128xf32, #tpu.memory_space<vmem>>) offsets(%dma_start3A : memref<256xi32, #tpu.memory_space<vmem>>) semaphore(%arg7 : memref<!tpu.dma_semaphore, #tpu.memory_space<semaphore_mem>>)
      %dma_wait3A = tpu.memref_slice %arg5[%mul3A_12] : memref<6400xi32, #tpu.memory_space<vmem>> -> memref<256xi32, #tpu.memory_space<vmem>>
      %dma_wait3A_16 = arith.constant 0 : i32
      %dma_wait3A_17 = arith.constant 0 : i32
      %dma_wait3A_18 = tpu.memref_slice %arg2[%dma_wait3A_16, %dma_wait3A_17] : memref<100000x128xf32, #tpu.memory_space<hbm>> -> memref<100000x128xf32, #tpu.memory_space<hbm>>
      tpu.wait_indirect_dma semaphore(%arg7 : memref<!tpu.dma_semaphore, #tpu.memory_space<semaphore_mem>>) src(%dma_wait3A_18 : memref<100000x128xf32, #tpu.memory_space<hbm>>) dst(%arg6 : memref<256x128xf32, #tpu.memory_space<vmem>>)
      %mul3A_19 = arith.constant 256 : i32
      %mul3A_20 = arith.muli %scan3A_9, %mul3A_19 : i32
      %add3A_21 = arith.addi %mul3A_2, %mul3A_20 : i32
      "tpu.region"() ({
        %run_scoped3A = tpu.sem_alloc : memref<!tpu.dma_semaphore, #tpu.memory_space<semaphore_mem>>
        %dma_start3A_23 = arith.constant 0 : i32
        %dma_start3A_24 = tpu.memref_slice %arg4[%add3A_21, %dma_start3A_23] : memref<204800x128xf32, #tpu.memory_space<hbm>> -> memref<256x128xf32, #tpu.memory_space<hbm>>
        %dma_start3A_25 = arith.constant 0 : i32
        %dma_start3A_26 = tpu.memref_slice %arg4[%add3A_21, %dma_start3A_25] : memref<204800x128xf32, #tpu.memory_space<hbm>> -> memref<256x128xf32, #tpu.memory_space<hbm>>
        tpu.enqueue_dma source(%arg6 : memref<256x128xf32, #tpu.memory_space<vmem>>) target(%dma_start3A_26 : memref<256x128xf32, #tpu.memory_space<hbm>>) target_semaphore(%run_scoped3A : memref<!tpu.dma_semaphore, #tpu.memory_space<semaphore_mem>>)
        %dma_wait3A_27 = arith.constant 0 : i32
        %dma_wait3A_28 = tpu.memref_slice %arg4[%add3A_21, %dma_wait3A_27] : memref<204800x128xf32, #tpu.memory_space<hbm>> -> memref<256x128xf32, #tpu.memory_space<hbm>>
        %dma_wait3A_29 = arith.constant 0 : i32
        %dma_wait3A_30 = tpu.memref_slice %arg4[%add3A_21, %dma_wait3A_29] : memref<204800x128xf32, #tpu.memory_space<hbm>> -> memref<256x128xf32, #tpu.memory_space<hbm>>
        tpu.wait_dma2 semaphore(%run_scoped3A : memref<!tpu.dma_semaphore, #tpu.memory_space<semaphore_mem>>) src(%arg6 : memref<256x128xf32, #tpu.memory_space<vmem>>) dst(%dma_wait3A_30 : memref<256x128xf32, #tpu.memory_space<hbm>>)
        tpu.yield
      }) : () -> ()
      %scan3A_22 = arith.constant 0 : i32
      scf.yield %scan3A_22 : i32
    }
    %scan3A_8 = arith.constant 25 : i32
    return
  }
}

</mosaic_0001>

<sc_bundles>
// kernel: gather_offload_async_start
scs
__scs_entry_jumppad:
0x0: {  	(pc) =	sbr.rel $0x88, $3  }
0x1: {  	(tag) =	ssettag $0x0;
	lr =	simm.s32 $0x1  }
0x2: {  	[smem:$0x3F9F] =	sst lr;
	_ =	strace $0xD0000000  }
0x3: {  	_ = 	snop  }
0x4: {  	_ = 	snop  }
0x5: {  	_ = 	snop  }
0x6: {  	_ = 	snop  }
0x7: {  	_ = 	snop  }
__scs_overlays_trampoline_lowered:
0x8: {  	[smem:$0x3FAE] =	sst s0  }
0x9: {  	[smem:$0x3FAF] =	sst s1  }
0xa: {  	[smem:$0x3FB0] =	sst s2  }
0xb: {  	[smem:$0x3FB1] =	sst s3  }
0xc: {  	[smem:$0x3FB2] =	sst s4  }
0xd: {  	[smem:$0x3FB3] =	sst s5  }
0xe: {  	[smem:$0x3FB4] =	sst s6  }
0xf: {  	[smem:$0x3FB5] =	sst s7  }
0x10: {  	[smem:$0x3FB6] =	sst s8  }
0x11: {  	[smem:$0x3FB7] =	sst s9;
	s0 =	simm.s32 @!p0 $0x0  }
0x12: {  	s1 =	sld [smem:$0x3F9D];
	s0 =	simm.s32 @p0 $0x1  }
0x13: {  	[smem:$0x3FB8] =	sst s0;
	s0 =	simm.s32 @!p1 $0x0  }
0x14: {  	s2 =	sld [smem:$0x3F9C];
	s0 =	simm.s32 @p1 $0x1  }
0x15: {  	[smem:$0x3FB9] =	sst s0;
	s0 =	simm.s32 @!p2 $0x0  }
0x16: {  	s3 =	sld [smem:$0x3FDB];
	s0 =	simm.s32 @p2 $0x1  }
0x17: {  	s4 =	simm.s32 $0x1BF5;
	[smem:$0x3FBB] =	sst s0  }
0x18: {  	s0 =	sld [smem:$0x3F9E];
	_ =	swait.ge [sflag:s4], $0x0  }
0x19: {  	s7 =	sld [smem:$0x3F9F]  }
0x1a: {  	s8 =	sadd.s32 $0xFFFFE003, lr  }
0x1b: {  	s9 =	sadd.s32 $0xFFFFFEF7, lr;
	s5 =	simm.s32 $0xFFFFFFFF;
	p2 =	slt.u32 s8, $0xFFFFF086  }
0x1c: {  	p1 =	slt.u32 s9, $0xF7A;
	s5 =	simm.s32 @!p2 $0x0  }
0x1d: {  	s5 =	simm.s32 @p1 $0x1;
	p0 =	seq.s32 s7, s2  }
0x1e: {  	s7 =	smul.u32 @!p0 $0xF7A, s2;
	p2 =	seq.s32 @!p0 s5, $0x0  }
0x1f: {  	s9 =	smul.u32 $0xF7A, s1;
	s8 =	simm.s32 @!p0 $0x1BF5;
	p2 =	por !p2, p0  }
0x20: {  	[sflag:s8] =	ssyncset.s32 @!p0 $0xFFFFF086;
	s6 =	sadd.s32 @!p0 s3, s7;
	s7 =	simm.s32 @!p0 $0x108  }
0x21: {  	s3 =	sadd.s32 s3, s9;
	s6 =	sadd.s32 @!p0 $0x88, s6;
	s7 =	simm.s32 @p2 $0x1082  }
0x22: {  	[simem:s7], [sflag:s8] =	dma.local @!p0 [hbm:s6], $0xF7A  }
0x23: {  	s9 =	sor.u32 $0xD0000000, s2;
	s6 =	simm.s32 $0x108;
	_ =	swait.ge @!p0 [sflag:s8], $0x0  }
0x24: {  	s3 =	sadd.s32 $0x88, s3;
	s6 =	simm.s32 @!p1 $0x1082;
	[sflag:s4] =	ssyncset.s32 $0xFFFFF086  }
0x25: {  	[simem:s6], [sflag:s4] =	dma.local [hbm:s3], $0xF7A  }
0x26: {  	[smem:$0x3F9F] =	sst s1;
	(tag) =	ssettag s2;
	_ =	strace s9  }
0x27: {  	s1 =	sld [smem:$0x3FAF]  }
0x28: {  	s2 =	sld [smem:$0x3FB0]  }
0x29: {  	s4 =	sld [smem:$0x3FB2]  }
0x2a: {  	p0 =	seq.s32 s5, $0x0;
	s5 =	sld [smem:$0x3FB3]  }
0x2b: {  	s6 =	sld [smem:$0x3FB4]  }
0x2c: {  	s7 =	sld [smem:$0x3FB5]  }
0x2d: {  	s3 =	simm.s32 $0x108;
	s8 =	sld [smem:$0x3FB6]  }
0x2e: {  	s3 =	simm.s32 @!p0 $0x1082;
	s9 =	sld [smem:$0x3FB7]  }
0x2f: {  	lr =	sadd.s32 s0, s3;
	s0 =	sld [smem:$0x3FAE]  }
0x30: {  	s3 =	sld [smem:$0x3FB1]  }
0x31: {  	[smem:$0x3FBA] =	sst s10  }
0x32: {  	s10 =	sld [smem:$0x3FB8];
	_ =	sdelay $0x3  }
0x33: {  	p0 =	seq.s32 s10, $0x1;
	s10 =	sld [smem:$0x3FBA];
	_ =	sdelay $0x3  }
0x34: {  	[smem:$0x3FBA] =	sst s10  }
0x35: {  	s10 =	sld [smem:$0x3FB9];
	_ =	sdelay $0x3  }
0x36: {  	p1 =	seq.s32 s10, $0x1;
	s10 =	sld [smem:$0x3FBA];
	_ =	sdelay $0x3  }
0x37: {  	[smem:$0x3FBA] =	sst s10  }
0x38: {  	s10 =	sld [smem:$0x3FBB]  }
0x39: {  	_ = 	snop;
	(pc) =	sbr.ind lr, $3  }
0x3a: {  	_ = 	snop  }
0x3b: {  	_ = 	snop  }
0x3c: {  	p2 =	seq.s32 s10, $0x1;
	s10 =	sld [smem:$0x3FBA]  }
0x3d: {  	_ =	shalt  }
0x3e: {  	_ =	shalt  }
0x3f: {  	_ =	shalt  }
0x40: {  	_ =	shalt  }
0x41: {  	_ =	shalt  }
0x42: {  	_ =	shalt  }
0x43: {  	_ =	shalt  }
0x44: {  	_ =	shalt  }
0x45: {  	_ =	shalt  }
0x46: {  	_ =	shalt  }
0x47: {  	_ =	shalt  }
0x48: {  	_ =	shalt  }
0x49: {  	_ =	shalt  }
0x4a: {  	_ =	shalt  }
0x4b: {  	_ =	shalt  }
0x4c: {  	_ =	shalt  }
0x4d: {  	_ =	shalt  }
0x4e: {  	_ =	shalt  }
0x4f: {  	_ =	shalt  }
0x50: {  	_ =	shalt  }
0x51: {  	_ =	shalt  }
0x52: {  	_ =	shalt  }
0x53: {  	_ =	shalt  }
0x54: {  	_ =	shalt  }
0x55: {  	_ =	shalt  }
0x56: {  	_ =	shalt  }
0x57: {  	_ =	shalt  }
0x58: {  	_ =	shalt  }
0x59: {  	_ =	shalt  }
0x5a: {  	_ =	shalt  }
0x5b: {  	_ =	shalt  }
0x5c: {  	_ =	shalt  }
0x5d: {  	_ =	shalt  }
0x5e: {  	_ =	shalt  }
0x5f: {  	_ =	shalt  }
0x60: {  	_ =	shalt  }
0x61: {  	_ =	shalt  }
0x62: {  	_ =	shalt  }
0x63: {  	_ =	shalt  }
0x64: {  	_ =	shalt  }
0x65: {  	_ =	shalt  }
0x66: {  	_ =	shalt  }
0x67: {  	_ =	shalt  }
0x68: {  	_ =	shalt  }
0x69: {  	_ =	shalt  }
0x6a: {  	_ =	shalt  }
0x6b: {  	_ =	shalt  }
0x6c: {  	_ =	shalt  }
0x6d: {  	_ =	shalt  }
0x6e: {  	_ =	shalt  }
0x6f: {  	_ =	shalt  }
0x70: {  	_ =	shalt  }
0x71: {  	_ =	shalt  }
0x72: {  	_ =	shalt  }
0x73: {  	_ =	shalt  }
0x74: {  	_ =	shalt  }
0x75: {  	_ =	shalt  }
0x76: {  	_ =	shalt  }
0x77: {  	_ =	shalt  }
0x78: {  	_ =	shalt  }
0x79: {  	_ =	shalt  }
0x7a: {  	_ =	shalt  }
0x7b: {  	_ =	shalt  }
0x7c: {  	_ =	shalt  }
0x7d: {  	_ =	shalt  }
0x7e: {  	_ =	shalt  }
0x7f: {  	_ =	shalt  }
0x80: {  	_ =	shalt  }
0x81: {  	_ =	shalt  }
0x82: {  	_ =	shalt  }
0x83: {  	_ =	shalt  }
0x84: {  	_ =	shalt  }
0x85: {  	_ =	shalt  }
0x86: {  	_ =	shalt  }
0x87: {  	_ =	shalt  }
.Lfunc_end0:
.L_simem_size_0:
called_computation.1_lowered:
.L_overlay_start_0:
0x88: {  	s2 =	sld [smem:$0x3FD9]  }
0x89: {  	s3 =	sld [smem:$0x3FFE];
	_ =	sdelay $0x1  }
0x8a: {  	s1 =	srdreg.scid  }
0x8b: {  	s0 =	sand.u32 $0x1, s1  }
0x8c: {  	s17 =	sshll.u32 s0, $0xA;
	s2 =	sadd.s32 s3, s2  }
0x8d: {  	s2 =	sadd.s32 s2, s17  }
0x8e: {  	[smem:$0x3FC6] =	sst s2  }
0x8f: {  	_ = 	snop  }
0x90: {  	s2 =	sld [smem:$0x3FD0];
	(tm) =	ssettm $0x1  }
0x91: {  	s18 =	sld [smem:$0x3FFB];
	_ =	sdelay $0x3  }
0x92: {  	_ =	strace s18  }
0x93: {  	s3 =	sld [smem:$0x3FFC];
	_ =	sdelay $0x3  }
0x94: {  	_ =	strace s3  }
0x95: {  	s3 =	sld [smem:$0x3FFD];
	_ =	sdelay $0x3  }
0x96: {  	_ =	strace s3  }
0x97: {  	_ =	strace $0x8FFFFFFF  }
0x98: {  	s19 =	sld [smem:$0x3FDB];
	_ =	sdelay $0x1  }
0x99: {  	s4 =	simm.s32 $_scs_section_size  }
0x9a: {  	s5 =	simm.s32 $_size__tile_overlayer_lowered;
	s6 =	simm.s32 $_tile_overlayer_lowered  }
0x9b: {  	s22 =	simm.s32 $0x1BFF;
	s21 =	sshll.u32 s6, $0x1;
	s3 =	sadd.s32 s4, s19  }
0x9c: {  	s7 =	simm.s32 $0x0;
	s20 =	sshll.u32 s5, $0x1;
	s5 =	sadd.s32 s21, s3  }
0x9d: {  	[timem:s7], [sflag:s22] =	dma.local [hbm:s5], s20  }
0x9e: {  	_ =	swait.ge [sflag:s22], s20  }
0x9f: {  	s4 =	ssub.s32 $0x0, s20;
	[sflag:s22] =	ssyncset.done $0x0  }
0xa0: {  	[sflag:s22] =	ssyncadd.s32 s4;
	_ =	sdelay $0x1  }
0xa1: {  	s23 =	simm.s32 $0x1B8B  }
0xa2: {  	_ =	swait.ge [sflag:s23], $0x1  }
0xa3: {  	[sflag:s23] =	ssyncset.done $0x0  }
0xa4: {  	s25 =	simm.s32 $0x1B8E;
	s24 =	sld [smem:$0x3FFE];
	[sflag:s23] =	ssyncadd.s32 $0xFFFFFFFF  }
0xa5: {  	s26 =	simm.s32 $execute0_lowered;
	[smem:$0x3FD2] =	sst s25  }
0xa6: {  	s5 =	sshll.u32 s26, $0x1;
	_ =	strace $0x80000049;
	[dreg:$0x1] =	wrdreg $0xFFFFFFFF  }
0xa7: {  	s28 =	simm.s32 $_size_execute0_lowered;
	s3 =	sadd.s32 s3, s5;
	[dreg:$0x0] =	wrdreg $0x0  }
0xa8: {  	s5 =	sshll.u32 s28, $0x1;
	[dreg:$0x2] =	wrdreg s3  }
0xa9: {  	[dreg:$0x3] =	wrdreg s5  }
0xaa: {  	[dreg:$0x4] =	wrdreg $0xC0  }
0xab: {  	_ =	task [dreg:s7], $0x5FFFF  }
0xac: {  	[dreg:$0x1] =	wrdreg $0xFFFFFFFF  }
0xad: {  	[dreg:$0x0] =	wrdreg $0x60  }
0xae: {  	[dreg:$0x2] =	wrdreg s2  }
0xaf: {  	[dreg:$0x3] =	wrdreg s24  }
0xb0: {  	[dreg:$0x4] =	wrdreg $0x9  }
0xb1: {  	_ =	task.clear_ibuf [dreg:s7], $0x5FFFF;
	_ =	strace $0x90000049  }
0xb2: {  	s29 =	simm.s32 $0x9;
	_ =	strace $0x8000004B  }
0xb3: {  	_ =	swait.ge [sflag:s29], $0x1  }
0xb4: {  	[sflag:s29] =	ssyncadd.s32 $0xFFFFFFFF  }
0xb5: {  	_ =	strace $0x9000004B  }
0xb6: {  	_ =	sfence  }
0xb7: {  	s30 =	sld [smem:$0x0];
	_ =	sdelay $0x2  }
0xb8: {  	s31 =	sshll.u32 s1, $0xD;
	s1 =	sshrl.u32 s1, $0x2  }
0xb9: {  	s3 =	sand.u32 $0x4000, s31;
	s1 =	sadd.s32 s1, s30  }
0xba: {  	s0 =	sor.u32 s3, s0;
	s1 =	sshll.u32 s1, $0x11  }
0xbb: {  	s0 =	sor.u32 s1, s0  }
0xbc: {  	s0 =	sadd.s32 $0x8F2B, s0  }
0xbd: {  	[sflag:s0] =	ssyncadd.remote.s32 $0x1  }
0xbe: {  	_ =	sfence.sel $0xFFFF  }
0xbf: {  	[dreg:$0x0] =	wrdreg $0xFFFFFFFF;
	(pc) =	sbr.abs _section_cstart, $3  }
0xc0: {  	[dreg:$0x1] =	wrdreg $0xFFFFFFFF  }
0xc1: {  	_ =	task.clear_ibuf [dreg:s7], $0x2FFFF;
	_ =	strace $0x9FFFFFFF  }
0xc2: {  	(tm) =	ssettm $0x7FFFFFFF  }
0xc3: {  	_ =	shalt  }
tec
execute0_lowered:
.L_overlay_start_1:
0x0: {  	(tag) =	ssettag $0x1  }
0x1: {  	s2 =	rddreg [dreg:$0x0]  }
0x2: {  	s0 =	stileid.u32;
	s1 =	srdreg.scid  }
0x3: {  	s3 =	rddreg [dreg:$0x1];
	s8 =	simm.s32 $0x1;
	s9 =	simm.s32 $0x3  }
0x4: {  	s10 =	simm.s32 $0x0;
	s4 =	sand.u32 $0x1, s1;
	s5 =	sshll.u32 s0, $0x1  }
0x5: {  	s13 =	simm.s32 $0x0;
	s12 =	simm.s32 $0x0;
	s6 =	sor.u32 s5, s4  }
0x6: {  	s1 =	rddreg [dreg:$0x2];
	_ =	strace $0x8000004A;
	s4 =	smul.u32 $0x1400, s6  }
0x7: {  	s5 =	simm.s32 $0x1;
	p0 =	slt.u32 s6, $0x9;
	s6 =	simm.s32 $0x28000  }
.Ltmp0:
0x8: {  	s6 =	simm.s32 @!p0 $0x0;
	s7 =	ssub.s32 $0x32000, s4;
	(pc) =	sbr.rel .LBB2_1-.Ltmp0, $4  }
0x9: {  	s8 =	simm.s32 @!p0 $0x0;
	p0 =	sne.s32 s7, s6;
	s7 =	simm.s32 $0x1  }
0xa: {  	[sflag:s5] =	ssyncpa.u1 $0x0;
	s6 =	simm.s32 $0x2;
	s7 =	simm.s32 @!p0 $0x0  }
0xb: {  	s11 =	smov.u32 s4;
	[sflag:s6] =	ssyncpa.u1 $0x0;
	s7 =	sadd.s32 s8, s7  }
0xc: {  	vm0 =	vmmov $0xffff;
	s8 =	sadd.s32 $0x6400, s3;
	[sflag:s9] =	ssyncpa.u1 $0x0;
	s9 =	sadd.s32 $0x1, s7  }
.LBB2_4:
0xd: {  	v2 =	vnsel vm1, $0x0, v2  }
0xe: {  	vm1 =	vgt.s32 v0, $0x0;
	v2 =	vmin.u32 v2, $0x31FFF  }
0xf: {  	v0 =	vnsel vm1, $0x0, v0  }
0x10: {  	v0 =	vmin.u32 v0, $0x31FFF  }
0x11: {  	[tilespmem:s18], [sflag:$0x1] =	stream.indirect_vreg.gather [hbm4b:s2+s10], $0x1, v1, vm0, $0x4038;
	[tilespmem:$0x5000] =	vst v63  }
0x12: {  	(ifvalue) =	ssetifvalue $0x7FFFFFFF  }
0x13: {  	[tilespmem:s15], [sflag:$0x1] =	stream.indirect_vreg.gather [hbm4b:s2+s10], $0x1, v2, vm0, $0x4038;
	[tilespmem:$0x5000] =	vst v63  }
0x14: {  	s29 =	sadd.s32 $0x10, s15;
	(ifvalue) =	ssetifvalue $0x7FFFFFFF  }
0x15: {  	[tilespmem:s29], [sflag:$0x1] =	stream.indirect_vreg.gather [hbm4b:s2+s10], $0x1, v0, vm0, $0x4038;
	[tilespmem:$0x5000] =	vst v63  }
0x16: {  	_ =	swait.ge [sflag:s5], $0x1400  }
0x17: {  	s30 =	sshrl.u32 s13, $0x3;
	[sflag:s5] =	ssyncset.done $0x0  }
0x18: {  	s31 =	sand.u32 $0x7, s13;
	s15 =	sadd.s32 s8, s30;
	[sflag:s5] =	ssyncadd.s32 $0xFFFFEC00  }
0x19: {  	[hbm4b:s15+s31] =	stream.linear.scatter [tilespmem:s14], [sflag:$0x3], $0x1400, $0x38;
	[tilespmem:$0x5000] =	vst v63  }
.LBB2_5:
0x1a: {  	s15 =	sadd.s32 $0x28000, s11  }
0x1b: {  	p1 =	sgt.s32 s15, $0x31FFF  }
0x1c: {  	s15 =	smov.u32 @p1 s4;
	p1 =	sne.s32 s12, s9  }
.Ltmp1:
0x1d: {  	p0 =	slt.u32 s12, $0x2;
	(pc) =	sbr.rel @!p1 .LBB2_6-.Ltmp1, $4  }
0x1e: {  	s14 =	simm.s32 @!p0 $0x3  }
0x1f: {  	_ =	swait.ge @!p0 [sflag:s14], $0x1400  }
0x20: {  	s16 =	sadd.s32 $0x1, s12;
	s13 =	smov.u32 s11;
	[sflag:s14] =	ssyncset.done @!p0 $0x0  }
0x21: {  	s12 =	smov.u32 s16;
	s11 =	smov.u32 s15;
	[sflag:s14] =	ssyncadd.s32 @!p0 $0xFFFFEC00  }
.LBB2_1:
0x22: {  	p0 =	sge.u32 s12, s7  }
0x23: {  	s14 =	sxor.u32 @!p0 $0x1, s12  }
0x24: {  	s14 =	smul.u32 @!p0 $0x5000, s14  }
0x25: {  	s31 =	sadd.s32 $0xFFFFFFFF, s12;
	s15 =	sshrl.u32 @!p0 s11, $0x3  }
0x26: {  	s16 =	sand.u32 @!p0 $0x7, s11;
	s15 =	sadd.s32 @!p0 s3, s15;
	s14 =	sshra.s32 @!p0 s14, $0x2  }
0x27: {  	[tilespmem:s14], [sflag:$0x2] =	stream.linear.gather @!p0 [hbm4b:s15+s16], $0x1400, $0x38;
	[tilespmem:$0x5000] =	vst v63  }
0x28: {  	p0 =	sge.u32 s31, s7  }
.Ltmp2:
0x29: {  	_ = 	snop;
	(pc) =	sbr.rel @p0 .LBB2_5-.Ltmp2, $1  }
0x2a: {  	_ =	sdelay $0x3  }
0x2b: {  	s14 =	sand.u32 $0x1, s12  }
0x2c: {  	_ =	swait.ge [sflag:s6], $0x1400;
	p0 =	seq.s32 s14, $0x1;
	s14 =	simm.s32 $0x1400  }
0x2d: {  	[sflag:s6] =	ssyncset.done $0x0;
	s14 =	simm.s32 @!p0 $0x0  }
0x2e: {  	[sflag:s6] =	ssyncadd.s32 $0xFFFFEC00;
	(ifvalue) =	ssetifvalue $0x7FFFFFFF;
	v0 =	vld.msk [tilespmem:s14+$0x0 ss:$0x1], $0xffff;
	_ =	sdelay $0x4  }
0x2f: {  	s15 =	sadd.s32 $0x10, s14;
	vm1 =	vgt.s32 v0, $0x0  }
0x30: {  	v2 =	vld.msk [tilespmem:s15+$0x0 ss:$0x1], $0xffff;
	v1 =	vnsel vm1, $0x0, v0  }
0x31: {  	v1 =	vmin.u32 v1, $0x31FFF;
	_ =	sdelay $0x2  }
0x32: {  	s17 =	simm.s32 $0x20;
	s14 =	sor.u32 $0x2800, s14;
	s16 =	sadd.s32 $0x10, s15  }
0x33: {  	s15 =	sadd.s32 $0x10, s14;
	s18 =	smov.u32 s14;
	v0 =	vld.msk [tilespmem:s16+$0x0 ss:$0x1], $0xffff;
	vm1 =	vgt.s32 v2, $0x0;
	(ifvalue) =	ssetifvalue $0x7FFFFFFF  }
.LBB2_3:
0x34: {  	[tilespmem:s18], [sflag:$0x1] =	stream.indirect_vreg.gather [hbm4b:s2+s10], $0x1, v1, vm0, $0x4038;
	[tilespmem:$0x5000] =	vst v63  }
0x35: {  	s17 =	sadd.s32 $0x10, s17  }
0x36: {  	v2 =	vnsel vm1, $0x0, v2;
	p0 =	slt.u32 s17, $0x13F0  }
.Ltmp3:
0x37: {  	s18 =	smov.u32 s15;
	v1 =	vmin.u32 v2, $0x31FFF;
	(pc) =	sbr.rel @p0 .LBB2_3-.Ltmp3, $3  }
0x38: {  	_ =	sdelay $0x1  }
0x39: {  	s16 =	sadd.s32 $0x10, s16  }
0x3a: {  	vm1 =	vgt.s32 v0, $0x0;
	s15 =	sadd.s32 $0x10, s15;
	v2 =	vmov v0;
	(ifvalue) =	ssetifvalue $0x7FFFFFFF;
	v0 =	vld.msk [tilespmem:s16+$0x0 ss:$0x1], $0xffff  }
.Ltmp4:
0x3b: {  	_ = 	snop;
	(pc) =	sbr.rel .LBB2_4-.Ltmp4, $1  }
0x3c: {  	_ =	sdelay $0x3  }
.LBB2_6:
0x3d: {  	_ =	sfence.sel $0x180000  }
0x3e: {  	s2 =	simm.s32 $0x2;
	[bflag:$0x0] =	sbarrier.arrive $0xFFFF  }
0x3f: {  	s30 =	simm.s32 $0x3;
	[sflag:s2] =	ssyncpa.u1 $0x1  }
0x40: {  	s31 =	simm.s32 $0x1;
	[sflag:s30] =	ssyncpa.u1 $0x1  }
0x41: {  	[sflag:s31] =	ssyncpa.u1 $0x1  }
0x42: {  	p0 =	sne.s32 s0, $0x0;
	_ =	strace $0x9000004A  }
0x43: {  	s0 =	sadd.s32 @!p0 $0x100000, s1;
	[bflag:$0x2] =	sbarrier.arrive $0xFFFF  }
0x44: {  	[sflag:s0] =	ssyncadd.tile.s32 @!p0 $0x1;
	_ =	shalt  }
.Lfunc_end2:
_tile_overlayer_lowered:
.L_overlay_start_2:
0x45: {  	(tag) =	ssettag $0x2  }
0x46: {  	s0 =	rddreg [dreg:$0x0];
	s2 =	stileid.u32  }
0x47: {  	s1 =	rddreg [dreg:$0x1];
	p0 =	sne.s32 s2, $0x0  }
0x48: {  	s3 =	rddreg [dreg:$0x2];
	[bflag:$0x3] =	sbarrier.arrive $0xFFFF;
	s2 =	simm.s32 @!p0 $0x1C01  }
0x49: {  	[timem:s3], [sflag:s2] =	dma.local @!p0 [hbm:s0], s1  }
0x4a: {  	s0 =	simm.s32 @!p0 $0x1  }
0x4b: {  	_ =	swait.ge @!p0 [sflag:s0], s1  }
0x4c: {  	s1 =	ssub.s32 @!p0 $0x0, s1;
	[sflag:s0] =	ssyncset.done @!p0 $0x0  }
0x4d: {  	[sflag:s0] =	ssyncadd.s32 @!p0 s1  }
0x4e: {  	[bflag:$0x3] =	sbarrier.arrive $0xFFFF  }
0x4f: {  	_ =	shalt  }

// kernel: kernel.3.cloned.1.call-start
scs
__scs_entry_jumppad:
0x0: {  	(pc) =	sbr.rel $0x88, $3  }
0x1: {  	(tag) =	ssettag $0x0;
	lr =	simm.s32 $0x1  }
0x2: {  	[smem:$0x3F9F] =	sst lr;
	_ =	strace $0xD0000000  }
0x3: {  	_ = 	snop  }
0x4: {  	_ = 	snop  }
0x5: {  	_ = 	snop  }
0x6: {  	_ = 	snop  }
0x7: {  	_ = 	snop  }
__scs_overlays_trampoline_lowered:
0x8: {  	[smem:$0x3FAE] =	sst s0  }
0x9: {  	[smem:$0x3FAF] =	sst s1  }
0xa: {  	[smem:$0x3FB0] =	sst s2  }
0xb: {  	[smem:$0x3FB1] =	sst s3  }
0xc: {  	[smem:$0x3FB2] =	sst s4  }
0xd: {  	[smem:$0x3FB3] =	sst s5  }
0xe: {  	[smem:$0x3FB4] =	sst s6  }
0xf: {  	[smem:$0x3FB5] =	sst s7  }
0x10: {  	[smem:$0x3FB6] =	sst s8  }
0x11: {  	[smem:$0x3FB7] =	sst s9;
	s0 =	simm.s32 @!p0 $0x0  }
0x12: {  	s1 =	sld [smem:$0x3F9D];
	s0 =	simm.s32 @p0 $0x1  }
0x13: {  	[smem:$0x3FB8] =	sst s0;
	s0 =	simm.s32 @!p1 $0x0  }
0x14: {  	s2 =	sld [smem:$0x3F9C];
	s0 =	simm.s32 @p1 $0x1  }
0x15: {  	[smem:$0x3FB9] =	sst s0;
	s0 =	simm.s32 @!p2 $0x0  }
0x16: {  	s3 =	sld [smem:$0x3FDB];
	s0 =	simm.s32 @p2 $0x1  }
0x17: {  	s4 =	simm.s32 $0x1BF5;
	[smem:$0x3FBB] =	sst s0  }
0x18: {  	s0 =	sld [smem:$0x3F9E];
	_ =	swait.ge [sflag:s4], $0x0  }
0x19: {  	s7 =	sld [smem:$0x3F9F]  }
0x1a: {  	s8 =	sadd.s32 $0xFFFFE003, lr  }
0x1b: {  	s9 =	sadd.s32 $0xFFFFFEF7, lr;
	s5 =	simm.s32 $0xFFFFFFFF;
	p2 =	slt.u32 s8, $0xFFFFF086  }
0x1c: {  	p1 =	slt.u32 s9, $0xF7A;
	s5 =	simm.s32 @!p2 $0x0  }
0x1d: {  	s5 =	simm.s32 @p1 $0x1;
	p0 =	seq.s32 s7, s2  }
0x1e: {  	s7 =	smul.u32 @!p0 $0xF7A, s2;
	p2 =	seq.s32 @!p0 s5, $0x0  }
0x1f: {  	s9 =	smul.u32 $0xF7A, s1;
	s8 =	simm.s32 @!p0 $0x1BF5;
	p2 =	por !p2, p0  }
0x20: {  	[sflag:s8] =	ssyncset.s32 @!p0 $0xFFFFF086;
	s6 =	sadd.s32 @!p0 s3, s7;
	s7 =	simm.s32 @!p0 $0x108  }
0x21: {  	s3 =	sadd.s32 s3, s9;
	s6 =	sadd.s32 @!p0 $0x88, s6;
	s7 =	simm.s32 @p2 $0x1082  }
0x22: {  	[simem:s7], [sflag:s8] =	dma.local @!p0 [hbm:s6], $0xF7A  }
0x23: {  	s9 =	sor.u32 $0xD0000000, s2;
	s6 =	simm.s32 $0x108;
	_ =	swait.ge @!p0 [sflag:s8], $0x0  }
0x24: {  	s3 =	sadd.s32 $0x88, s3;
	s6 =	simm.s32 @!p1 $0x1082;
	[sflag:s4] =	ssyncset.s32 $0xFFFFF086  }
0x25: {  	[simem:s6], [sflag:s4] =	dma.local [hbm:s3], $0xF7A  }
0x26: {  	[smem:$0x3F9F] =	sst s1;
	(tag) =	ssettag s2;
	_ =	strace s9  }
0x27: {  	s1 =	sld [smem:$0x3FAF]  }
0x28: {  	s2 =	sld [smem:$0x3FB0]  }
0x29: {  	s4 =	sld [smem:$0x3FB2]  }
0x2a: {  	p0 =	seq.s32 s5, $0x0;
	s5 =	sld [smem:$0x3FB3]  }
0x2b: {  	s6 =	sld [smem:$0x3FB4]  }
0x2c: {  	s7 =	sld [smem:$0x3FB5]  }
0x2d: {  	s3 =	simm.s32 $0x108;
	s8 =	sld [smem:$0x3FB6]  }
0x2e: {  	s3 =	simm.s32 @!p0 $0x1082;
	s9 =	sld [smem:$0x3FB7]  }
0x2f: {  	lr =	sadd.s32 s0, s3;
	s0 =	sld [smem:$0x3FAE]  }
0x30: {  	s3 =	sld [smem:$0x3FB1]  }
0x31: {  	[smem:$0x3FBA] =	sst s10  }
0x32: {  	s10 =	sld [smem:$0x3FB8];
	_ =	sdelay $0x3  }
0x33: {  	p0 =	seq.s32 s10, $0x1;
	s10 =	sld [smem:$0x3FBA];
	_ =	sdelay $0x3  }
0x34: {  	[smem:$0x3FBA] =	sst s10  }
0x35: {  	s10 =	sld [smem:$0x3FB9];
	_ =	sdelay $0x3  }
0x36: {  	p1 =	seq.s32 s10, $0x1;
	s10 =	sld [smem:$0x3FBA];
	_ =	sdelay $0x3  }
0x37: {  	[smem:$0x3FBA] =	sst s10  }
0x38: {  	s10 =	sld [smem:$0x3FBB]  }
0x39: {  	_ = 	snop;
	(pc) =	sbr.ind lr, $3  }
0x3a: {  	_ = 	snop  }
0x3b: {  	_ = 	snop  }
0x3c: {  	p2 =	seq.s32 s10, $0x1;
	s10 =	sld [smem:$0x3FBA]  }
0x3d: {  	_ =	shalt  }
0x3e: {  	_ =	shalt  }
0x3f: {  	_ =	shalt  }
0x40: {  	_ =	shalt  }
0x41: {  	_ =	shalt  }
0x42: {  	_ =	shalt  }
0x43: {  	_ =	shalt  }
0x44: {  	_ =	shalt  }
0x45: {  	_ =	shalt  }
0x46: {  	_ =	shalt  }
0x47: {  	_ =	shalt  }
0x48: {  	_ =	shalt  }
0x49: {  	_ =	shalt  }
0x4a: {  	_ =	shalt  }
0x4b: {  	_ =	shalt  }
0x4c: {  	_ =	shalt  }
0x4d: {  	_ =	shalt  }
0x4e: {  	_ =	shalt  }
0x4f: {  	_ =	shalt  }
0x50: {  	_ =	shalt  }
0x51: {  	_ =	shalt  }
0x52: {  	_ =	shalt  }
0x53: {  	_ =	shalt  }
0x54: {  	_ =	shalt  }
0x55: {  	_ =	shalt  }
0x56: {  	_ =	shalt  }
0x57: {  	_ =	shalt  }
0x58: {  	_ =	shalt  }
0x59: {  	_ =	shalt  }
0x5a: {  	_ =	shalt  }
0x5b: {  	_ =	shalt  }
0x5c: {  	_ =	shalt  }
0x5d: {  	_ =	shalt  }
0x5e: {  	_ =	shalt  }
0x5f: {  	_ =	shalt  }
0x60: {  	_ =	shalt  }
0x61: {  	_ =	shalt  }
0x62: {  	_ =	shalt  }
0x63: {  	_ =	shalt  }
0x64: {  	_ =	shalt  }
0x65: {  	_ =	shalt  }
0x66: {  	_ =	shalt  }
0x67: {  	_ =	shalt  }
0x68: {  	_ =	shalt  }
0x69: {  	_ =	shalt  }
0x6a: {  	_ =	shalt  }
0x6b: {  	_ =	shalt  }
0x6c: {  	_ =	shalt  }
0x6d: {  	_ =	shalt  }
0x6e: {  	_ =	shalt  }
0x6f: {  	_ =	shalt  }
0x70: {  	_ =	shalt  }
0x71: {  	_ =	shalt  }
0x72: {  	_ =	shalt  }
0x73: {  	_ =	shalt  }
0x74: {  	_ =	shalt  }
0x75: {  	_ =	shalt  }
0x76: {  	_ =	shalt  }
0x77: {  	_ =	shalt  }
0x78: {  	_ =	shalt  }
0x79: {  	_ =	shalt  }
0x7a: {  	_ =	shalt  }
0x7b: {  	_ =	shalt  }
0x7c: {  	_ =	shalt  }
0x7d: {  	_ =	shalt  }
0x7e: {  	_ =	shalt  }
0x7f: {  	_ =	shalt  }
0x80: {  	_ =	shalt  }
0x81: {  	_ =	shalt  }
0x82: {  	_ =	shalt  }
0x83: {  	_ =	shalt  }
0x84: {  	_ =	shalt  }
0x85: {  	_ =	shalt  }
0x86: {  	_ =	shalt  }
0x87: {  	_ =	shalt  }
.Lfunc_end0:
.L_simem_size_0:
called_computation.2_lowered:
.L_overlay_start_0:
0x88: {  	s2 =	sld [smem:$0x3FD9]  }
0x89: {  	s3 =	sld [smem:$0x3FFE];
	_ =	sdelay $0x1  }
0x8a: {  	s1 =	srdreg.scid  }
0x8b: {  	s0 =	sand.u32 $0x1, s1  }
0x8c: {  	s17 =	sshll.u32 s0, $0xA;
	s2 =	sadd.s32 s3, s2  }
0x8d: {  	s2 =	sadd.s32 s2, s17  }
0x8e: {  	[smem:$0x3FC6] =	sst s2  }
0x8f: {  	_ = 	snop  }
0x90: {  	s2 =	sld [smem:$0x3FC8]  }
0x91: {  	s18 =	sld [smem:$0x3FD0];
	(tm) =	ssettm $0x1  }
0x92: {  	s4 =	sld [smem:$0x3FFB];
	_ =	sdelay $0x3  }
0x93: {  	_ =	strace s4  }
0x94: {  	s4 =	sld [smem:$0x3FFC];
	_ =	sdelay $0x3  }
0x95: {  	_ =	strace s4  }
0x96: {  	s4 =	sld [smem:$0x3FFD];
	_ =	sdelay $0x3  }
0x97: {  	_ =	strace s4  }
0x98: {  	_ =	strace $0x8FFFFFFF  }
0x99: {  	s19 =	sld [smem:$0x3FDB];
	_ =	sdelay $0x1  }
0x9a: {  	s5 =	simm.s32 $_scs_section_size  }
0x9b: {  	s6 =	simm.s32 $_size__tile_overlayer_lowered;
	s7 =	simm.s32 $_tile_overlayer_lowered  }
0x9c: {  	s22 =	simm.s32 $0x1BFF;
	s21 =	sshll.u32 s7, $0x1;
	s4 =	sadd.s32 s5, s19  }
0x9d: {  	s8 =	simm.s32 $0x0;
	s20 =	sshll.u32 s6, $0x1;
	s6 =	sadd.s32 s21, s4  }
0x9e: {  	[timem:s8], [sflag:s22] =	dma.local [hbm:s6], s20  }
0x9f: {  	_ =	swait.ge [sflag:s22], s20  }
0xa0: {  	s5 =	ssub.s32 $0x0, s20;
	[sflag:s22] =	ssyncset.done $0x0  }
0xa1: {  	[sflag:s22] =	ssyncadd.s32 s5;
	_ =	sdelay $0x1  }
0xa2: {  	s23 =	simm.s32 $0x1B8B  }
0xa3: {  	_ =	swait.ge [sflag:s23], $0x1  }
0xa4: {  	[sflag:s23] =	ssyncset.done $0x0  }
0xa5: {  	s25 =	simm.s32 $0x1B8E;
	s24 =	sld [smem:$0x3FFE];
	[sflag:s23] =	ssyncadd.s32 $0xFFFFFFFF  }
0xa6: {  	s26 =	simm.s32 $execute0_lowered;
	[smem:$0x3FD2] =	sst s25  }
0xa7: {  	s6 =	sshll.u32 s26, $0x1;
	_ =	strace $0x8000004C;
	[dreg:$0x1] =	wrdreg $0xFFFFFFFF  }
0xa8: {  	s28 =	simm.s32 $_size_execute0_lowered;
	s4 =	sadd.s32 s4, s6;
	[dreg:$0x0] =	wrdreg $0x0  }
0xa9: {  	s6 =	sshll.u32 s28, $0x1;
	[dreg:$0x2] =	wrdreg s4  }
0xaa: {  	[dreg:$0x3] =	wrdreg s6  }
0xab: {  	[dreg:$0x4] =	wrdreg $0xC0  }
0xac: {  	_ =	task [dreg:s8], $0x5FFFF  }
0xad: {  	[dreg:$0x1] =	wrdreg $0xFFFFFFFF  }
0xae: {  	[dreg:$0x0] =	wrdreg $0x60  }
0xaf: {  	[dreg:$0x2] =	wrdreg s2  }
0xb0: {  	[dreg:$0x3] =	wrdreg s24  }
0xb1: {  	[dreg:$0x4] =	wrdreg s18  }
0xb2: {  	[dreg:$0x5] =	wrdreg $0x9  }
0xb3: {  	_ =	task.clear_ibuf [dreg:s8], $0x6FFFF;
	_ =	strace $0x9000004C  }
0xb4: {  	s29 =	simm.s32 $0x9;
	_ =	strace $0x8000004E  }
0xb5: {  	_ =	swait.ge [sflag:s29], $0x1  }
0xb6: {  	[sflag:s29] =	ssyncadd.s32 $0xFFFFFFFF  }
0xb7: {  	_ =	strace $0x9000004E  }
0xb8: {  	_ =	sfence  }
0xb9: {  	s30 =	sld [smem:$0x0];
	_ =	sdelay $0x2  }
0xba: {  	s31 =	sshll.u32 s1, $0xD;
	s1 =	sshrl.u32 s1, $0x2  }
0xbb: {  	s3 =	sand.u32 $0x4000, s31;
	s1 =	sadd.s32 s1, s30  }
0xbc: {  	s0 =	sor.u32 s3, s0;
	s1 =	sshll.u32 s1, $0x11  }
0xbd: {  	s0 =	sor.u32 s1, s0  }
0xbe: {  	s0 =	sadd.s32 $0x8F2B, s0  }
0xbf: {  	[sflag:s0] =	ssyncadd.remote.s32 $0x1  }
0xc0: {  	_ =	sfence.sel $0xFFFF  }
0xc1: {  	[dreg:$0x0] =	wrdreg $0xFFFFFFFF;
	(pc) =	sbr.abs _section_cstart, $3  }
0xc2: {  	[dreg:$0x1] =	wrdreg $0xFFFFFFFF  }
0xc3: {  	_ =	task.clear_ibuf [dreg:s8], $0x2FFFF;
	_ =	strace $0x9FFFFFFF  }
0xc4: {  	(tm) =	ssettm $0x7FFFFFFF  }
0xc5: {  	_ =	shalt  }
tec
execute0_lowered:
.L_overlay_start_1:
0x0: {  	(tag) =	ssettag $0x1  }
0x1: {  	s1 =	rddreg [dreg:$0x0]  }
0x2: {  	s4 =	rddreg [dreg:$0x1];
	s2 =	srdreg.scid  }
0x3: {  	s0 =	stileid.u32;
	s6 =	rddreg [dreg:$0x2]  }
0x4: {  	s3 =	simm.s32 $0x0;
	s11 =	simm.s32 $0x0;
	s5 =	sand.u32 $0x1, s2  }
0x5: {  	s7 =	sshll.u32 s0, $0x1;
	s2 =	rddreg [dreg:$0x3];
	s10 =	smul.u32 $0x32000, s0  }
0x6: {  	[smem:$0x7FF] =	sst s3;
	s7 =	sor.u32 s5, s7;
	s31 =	smul.u32 $0x19000, s5  }
0x7: {  	_ =	strace $0x8000004D;
	s8 =	ssub.s32 $0x2, s5;
	s7 =	smul.u32 $0x1900, s7  }
0x8: {  	s9 =	sshrl.u32 s8, $0x1;
	s6 =	sadd.s32 s10, s6;
	s10 =	simm.s32 $0x1  }
0x9: {  	s30 =	ssub.s32 s8, s9;
	s6 =	sadd.s32 s31, s6;
	s7 =	sshrl.u32 s7, $0x3  }
0xa: {  	s8 =	simm.s32 $0x100;
	s9 =	simm.s32 $0x1900;
	s4 =	sadd.s32 s7, s4  }
0xb: {  	s5 =	smax.u32 s30, $0x1;
	s7 =	simm.s32 $0x2;
	s4 =	sadd.s32 $0x6400, s4  }
.LBB2_1:
0xc: {  	[tilespmem:s3], [sflag:$0x2] =	stream.linear.gather [hbm4b:s4+s3], $0x1900, $0x38;
	[tilespmem:$0x9900] =	vst v63  }
0xd: {  	_ =	swait.ge [sflag:s7], $0x1900  }
0xe: {  	[sflag:s7] =	ssyncset.done $0x0  }
0xf: {  	s12 =	simm.s32 $0x0;
	[sflag:s7] =	ssyncadd.s32 $0xFFFFE700  }
0x10: {  	[tilespmem:s9], [sflag:$0x1] =	stream.indirect.gather [hbm4b:s1+s8], $0x80, s12, s8, $0xb8;
	[tilespmem:$0x9900] =	vst v63  }
0x11: {  	_ =	swait.ge [sflag:s10], $0x8000  }
0x12: {  	[sflag:s10] =	ssyncset.done $0x0  }
0x13: {  	[sflag:s10] =	ssyncadd.s32 $0xFFFF8000  }
0x14: {  	[hbm4b:s6+s3] =	stream.linear.scatter [tilespmem:s9], [sflag:$0x2], $0x8000, $0x38;
	[tilespmem:$0x9900] =	vst v63  }
0x15: {  	s13 =	simm.s32 $0x400;
	_ =	swait.ge [sflag:s7], $0x8000  }
0x16: {  	s14 =	simm.s32 $0x800;
	s12 =	sadd.s32 $0x1000, s6;
	[sflag:s7] =	ssyncset.done $0x0  }
.LBB2_2:
0x17: {  	s15 =	sshra.s32 s13, $0x2  }
0x18: {  	[sflag:s7] =	ssyncadd.s32 $0xFFFF8000;
	s13 =	smov.u32 s14;
	s16 =	sadd.s32 $0x400, s14  }
0x19: {  	[tilespmem:s9], [sflag:$0x1] =	stream.indirect.gather [hbm4b:s1+s8], $0x80, s15, s8, $0xb8;
	[tilespmem:$0x9900] =	vst v63  }
0x1a: {  	p0 =	sne.s32 s14, $0x6000;
	_ =	swait.ge [sflag:s10], $0x8000  }
.Ltmp0:
0x1b: {  	[sflag:s10] =	ssyncset.done $0x0;
	(pc) =	sbr.rel @p0 .LBB2_2-.Ltmp0, $4  }
0x1c: {  	[sflag:s10] =	ssyncadd.s32 $0xFFFF8000  }
0x1d: {  	[hbm4b:s12+s3] =	stream.linear.scatter [tilespmem:s9], [sflag:$0x2], $0x8000, $0x38;
	[tilespmem:$0x9900] =	vst v63  }
0x1e: {  	_ =	swait.ge [sflag:s7], $0x8000  }
0x1f: {  	s14 =	smov.u32 s16;
	s12 =	sadd.s32 $0x1000, s12;
	[sflag:s7] =	ssyncset.done $0x0  }
0x20: {  	s13 =	sshra.s32 s13, $0x2;
	[sflag:s7] =	ssyncadd.s32 $0xFFFF8000  }
0x21: {  	[tilespmem:s9], [sflag:$0x1] =	stream.indirect.gather [hbm4b:s1+s8], $0x80, s13, s8, $0xb8;
	[tilespmem:$0x9900] =	vst v63  }
0x22: {  	s11 =	sadd.s32 $0x1, s11;
	_ =	swait.ge [sflag:s10], $0x8000  }
0x23: {  	p0 =	sne.s32 s11, s5;
	[sflag:s10] =	ssyncset.done $0x0  }
.Ltmp1:
0x24: {  	[sflag:s10] =	ssyncadd.s32 $0xFFFF8000;
	(pc) =	sbr.rel @p0 .LBB2_1-.Ltmp1, $4  }
0x25: {  	[hbm4b:s12+s3] =	stream.linear.scatter [tilespmem:s9], [sflag:$0x2], $0x8000, $0x38;
	[tilespmem:$0x9900] =	vst v63  }
0x26: {  	_ =	swait.ge [sflag:s7], $0x8000  }
0x27: {  	[sflag:s7] =	ssyncset.done $0x0  }
0x28: {  	[sflag:s7] =	ssyncadd.s32 $0xFFFF8000  }
0x29: {  	_ =	sfence.sel $0x180000  }
0x2a: {  	[bflag:$0x0] =	sbarrier.arrive $0xFFFF  }
0x2b: {  	p0 =	sne.s32 s0, $0x0;
	_ =	strace $0x9000004D  }
0x2c: {  	s0 =	sadd.s32 @!p0 $0x100000, s2;
	[bflag:$0x2] =	sbarrier.arrive $0xFFFF  }
0x2d: {  	[sflag:s0] =	ssyncadd.tile.s32 @!p0 $0x1;
	_ =	shalt  }
.Lfunc_end2:
_tile_overlayer_lowered:
.L_overlay_start_2:
0x2e: {  	(tag) =	ssettag $0x2  }
0x2f: {  	s0 =	rddreg [dreg:$0x0];
	s2 =	stileid.u32  }
0x30: {  	s1 =	rddreg [dreg:$0x1];
	p0 =	sne.s32 s2, $0x0  }
0x31: {  	s3 =	rddreg [dreg:$0x2];
	[bflag:$0x3] =	sbarrier.arrive $0xFFFF;
	s2 =	simm.s32 @!p0 $0x1C02  }
0x32: {  	[timem:s3], [sflag:s2] =	dma.local @!p0 [hbm:s0], s1  }
0x33: {  	s0 =	simm.s32 @!p0 $0x2  }
0x34: {  	_ =	swait.ge @!p0 [sflag:s0], s1  }
0x35: {  	s1 =	ssub.s32 @!p0 $0x0, s1;
	[sflag:s0] =	ssyncset.done @!p0 $0x0  }
0x36: {  	[sflag:s0] =	ssyncadd.s32 @!p0 s1  }
0x37: {  	[bflag:$0x3] =	sbarrier.arrive $0xFFFF  }
0x38: {  	_ =	shalt  }

// kernel: scatter_offload_async_start
scs
__scs_entry_jumppad:
0x0: {  	(pc) =	sbr.rel $0x88, $3  }
0x1: {  	(tag) =	ssettag $0x0;
	lr =	simm.s32 $0x1  }
0x2: {  	[smem:$0x3F9F] =	sst lr;
	_ =	strace $0xD0000000  }
0x3: {  	_ = 	snop  }
0x4: {  	_ = 	snop  }
0x5: {  	_ = 	snop  }
0x6: {  	_ = 	snop  }
0x7: {  	_ = 	snop  }
__scs_overlays_trampoline_lowered:
0x8: {  	[smem:$0x3FAE] =	sst s0  }
0x9: {  	[smem:$0x3FAF] =	sst s1  }
0xa: {  	[smem:$0x3FB0] =	sst s2  }
0xb: {  	[smem:$0x3FB1] =	sst s3  }
0xc: {  	[smem:$0x3FB2] =	sst s4  }
0xd: {  	[smem:$0x3FB3] =	sst s5  }
0xe: {  	[smem:$0x3FB4] =	sst s6  }
0xf: {  	[smem:$0x3FB5] =	sst s7  }
0x10: {  	[smem:$0x3FB6] =	sst s8  }
0x11: {  	[smem:$0x3FB7] =	sst s9;
	s0 =	simm.s32 @!p0 $0x0  }
0x12: {  	s1 =	sld [smem:$0x3F9D];
	s0 =	simm.s32 @p0 $0x1  }
0x13: {  	[smem:$0x3FB8] =	sst s0;
	s0 =	simm.s32 @!p1 $0x0  }
0x14: {  	s2 =	sld [smem:$0x3F9C];
	s0 =	simm.s32 @p1 $0x1  }
0x15: {  	[smem:$0x3FB9] =	sst s0;
	s0 =	simm.s32 @!p2 $0x0  }
0x16: {  	s3 =	sld [smem:$0x3FDB];
	s0 =	simm.s32 @p2 $0x1  }
0x17: {  	s4 =	simm.s32 $0x1BF5;
	[smem:$0x3FBB] =	sst s0  }
0x18: {  	s0 =	sld [smem:$0x3F9E];
	_ =	swait.ge [sflag:s4], $0x0  }
0x19: {  	s7 =	sld [smem:$0x3F9F]  }
0x1a: {  	s8 =	sadd.s32 $0xFFFFE003, lr  }
0x1b: {  	s9 =	sadd.s32 $0xFFFFFEF7, lr;
	s5 =	simm.s32 $0xFFFFFFFF;
	p2 =	slt.u32 s8, $0xFFFFF086  }
0x1c: {  	p1 =	slt.u32 s9, $0xF7A;
	s5 =	simm.s32 @!p2 $0x0  }
0x1d: {  	s5 =	simm.s32 @p1 $0x1;
	p0 =	seq.s32 s7, s2  }
0x1e: {  	s7 =	smul.u32 @!p0 $0xF7A, s2;
	p2 =	seq.s32 @!p0 s5, $0x0  }
0x1f: {  	s9 =	smul.u32 $0xF7A, s1;
	s8 =	simm.s32 @!p0 $0x1BF5;
	p2 =	por !p2, p0  }
0x20: {  	[sflag:s8] =	ssyncset.s32 @!p0 $0xFFFFF086;
	s6 =	sadd.s32 @!p0 s3, s7;
	s7 =	simm.s32 @!p0 $0x108  }
0x21: {  	s3 =	sadd.s32 s3, s9;
	s6 =	sadd.s32 @!p0 $0x88, s6;
	s7 =	simm.s32 @p2 $0x1082  }
0x22: {  	[simem:s7], [sflag:s8] =	dma.local @!p0 [hbm:s6], $0xF7A  }
0x23: {  	s9 =	sor.u32 $0xD0000000, s2;
	s6 =	simm.s32 $0x108;
	_ =	swait.ge @!p0 [sflag:s8], $0x0  }
0x24: {  	s3 =	sadd.s32 $0x88, s3;
	s6 =	simm.s32 @!p1 $0x1082;
	[sflag:s4] =	ssyncset.s32 $0xFFFFF086  }
0x25: {  	[simem:s6], [sflag:s4] =	dma.local [hbm:s3], $0xF7A  }
0x26: {  	[smem:$0x3F9F] =	sst s1;
	(tag) =	ssettag s2;
	_ =	strace s9  }
0x27: {  	s1 =	sld [smem:$0x3FAF]  }
0x28: {  	s2 =	sld [smem:$0x3FB0]  }
0x29: {  	s4 =	sld [smem:$0x3FB2]  }
0x2a: {  	p0 =	seq.s32 s5, $0x0;
	s5 =	sld [smem:$0x3FB3]  }
0x2b: {  	s6 =	sld [smem:$0x3FB4]  }
0x2c: {  	s7 =	sld [smem:$0x3FB5]  }
0x2d: {  	s3 =	simm.s32 $0x108;
	s8 =	sld [smem:$0x3FB6]  }
0x2e: {  	s3 =	simm.s32 @!p0 $0x1082;
	s9 =	sld [smem:$0x3FB7]  }
0x2f: {  	lr =	sadd.s32 s0, s3;
	s0 =	sld [smem:$0x3FAE]  }
0x30: {  	s3 =	sld [smem:$0x3FB1]  }
0x31: {  	[smem:$0x3FBA] =	sst s10  }
0x32: {  	s10 =	sld [smem:$0x3FB8];
	_ =	sdelay $0x3  }
0x33: {  	p0 =	seq.s32 s10, $0x1;
	s10 =	sld [smem:$0x3FBA];
	_ =	sdelay $0x3  }
0x34: {  	[smem:$0x3FBA] =	sst s10  }
0x35: {  	s10 =	sld [smem:$0x3FB9];
	_ =	sdelay $0x3  }
0x36: {  	p1 =	seq.s32 s10, $0x1;
	s10 =	sld [smem:$0x3FBA];
	_ =	sdelay $0x3  }
0x37: {  	[smem:$0x3FBA] =	sst s10  }
0x38: {  	s10 =	sld [smem:$0x3FBB]  }
0x39: {  	_ = 	snop;
	(pc) =	sbr.ind lr, $3  }
0x3a: {  	_ = 	snop  }
0x3b: {  	_ = 	snop  }
0x3c: {  	p2 =	seq.s32 s10, $0x1;
	s10 =	sld [smem:$0x3FBA]  }
0x3d: {  	_ =	shalt  }
0x3e: {  	_ =	shalt  }
0x3f: {  	_ =	shalt  }
0x40: {  	_ =	shalt  }
0x41: {  	_ =	shalt  }
0x42: {  	_ =	shalt  }
0x43: {  	_ =	shalt  }
0x44: {  	_ =	shalt  }
0x45: {  	_ =	shalt  }
0x46: {  	_ =	shalt  }
0x47: {  	_ =	shalt  }
0x48: {  	_ =	shalt  }
0x49: {  	_ =	shalt  }
0x4a: {  	_ =	shalt  }
0x4b: {  	_ =	shalt  }
0x4c: {  	_ =	shalt  }
0x4d: {  	_ =	shalt  }
0x4e: {  	_ =	shalt  }
0x4f: {  	_ =	shalt  }
0x50: {  	_ =	shalt  }
0x51: {  	_ =	shalt  }
0x52: {  	_ =	shalt  }
0x53: {  	_ =	shalt  }
0x54: {  	_ =	shalt  }
0x55: {  	_ =	shalt  }
0x56: {  	_ =	shalt  }
0x57: {  	_ =	shalt  }
0x58: {  	_ =	shalt  }
0x59: {  	_ =	shalt  }
0x5a: {  	_ =	shalt  }
0x5b: {  	_ =	shalt  }
0x5c: {  	_ =	shalt  }
0x5d: {  	_ =	shalt  }
0x5e: {  	_ =	shalt  }
0x5f: {  	_ =	shalt  }
0x60: {  	_ =	shalt  }
0x61: {  	_ =	shalt  }
0x62: {  	_ =	shalt  }
0x63: {  	_ =	shalt  }
0x64: {  	_ =	shalt  }
0x65: {  	_ =	shalt  }
0x66: {  	_ =	shalt  }
0x67: {  	_ =	shalt  }
0x68: {  	_ =	shalt  }
0x69: {  	_ =	shalt  }
0x6a: {  	_ =	shalt  }
0x6b: {  	_ =	shalt  }
0x6c: {  	_ =	shalt  }
0x6d: {  	_ =	shalt  }
0x6e: {  	_ =	shalt  }
0x6f: {  	_ =	shalt  }
0x70: {  	_ =	shalt  }
0x71: {  	_ =	shalt  }
0x72: {  	_ =	shalt  }
0x73: {  	_ =	shalt  }
0x74: {  	_ =	shalt  }
0x75: {  	_ =	shalt  }
0x76: {  	_ =	shalt  }
0x77: {  	_ =	shalt  }
0x78: {  	_ =	shalt  }
0x79: {  	_ =	shalt  }
0x7a: {  	_ =	shalt  }
0x7b: {  	_ =	shalt  }
0x7c: {  	_ =	shalt  }
0x7d: {  	_ =	shalt  }
0x7e: {  	_ =	shalt  }
0x7f: {  	_ =	shalt  }
0x80: {  	_ =	shalt  }
0x81: {  	_ =	shalt  }
0x82: {  	_ =	shalt  }
0x83: {  	_ =	shalt  }
0x84: {  	_ =	shalt  }
0x85: {  	_ =	shalt  }
0x86: {  	_ =	shalt  }
0x87: {  	_ =	shalt  }
.Lfunc_end0:
.L_simem_size_0:
called_computation_lowered:
.L_overlay_start_0:
0x88: {  	s0 =	sld [smem:$0x3FD9]  }
0x89: {  	s1 =	sld [smem:$0x3FFE];
	_ =	sdelay $0x3  }
0x8a: {  	s0 =	sadd.s32 s1, s0  }
0x8b: {  	[smem:$0x3FC6] =	sst s0  }
0x8c: {  	_ = 	snop  }
0x8d: {  	s0 =	sld [smem:$0x3FD0];
	(tm) =	ssettm $0x1  }
0x8e: {  	s16 =	sld [smem:$0x3FFB];
	_ =	sdelay $0x3  }
0x8f: {  	_ =	strace s16  }
0x90: {  	s1 =	sld [smem:$0x3FFC];
	_ =	sdelay $0x3  }
0x91: {  	_ =	strace s1  }
0x92: {  	s1 =	sld [smem:$0x3FFD];
	_ =	sdelay $0x3  }
0x93: {  	_ =	strace s1  }
0x94: {  	_ =	strace $0x8FFFFFFF  }
0x95: {  	s17 =	sld [smem:$0x3FDB];
	_ =	sdelay $0x1  }
0x96: {  	s2 =	simm.s32 $_scs_section_size  }
0x97: {  	s3 =	simm.s32 $_size__tile_overlayer_lowered;
	s4 =	simm.s32 $_tile_overlayer_lowered  }
0x98: {  	s20 =	simm.s32 $0x1BFF;
	s19 =	sshll.u32 s4, $0x1;
	s1 =	sadd.s32 s2, s17  }
0x99: {  	s5 =	simm.s32 $0x0;
	s18 =	sshll.u32 s3, $0x1;
	s3 =	sadd.s32 s19, s1  }
0x9a: {  	[timem:s5], [sflag:s20] =	dma.local [hbm:s3], s18  }
0x9b: {  	_ =	swait.ge [sflag:s20], s18  }
0x9c: {  	s2 =	ssub.s32 $0x0, s18;
	[sflag:s20] =	ssyncset.done $0x0  }
0x9d: {  	[sflag:s20] =	ssyncadd.s32 s2;
	_ =	sdelay $0x1  }
0x9e: {  	s21 =	simm.s32 $0x1B8B  }
0x9f: {  	_ =	swait.ge [sflag:s21], $0x1  }
0xa0: {  	[sflag:s21] =	ssyncset.done $0x0  }
0xa1: {  	s23 =	simm.s32 $0x1B8E;
	s22 =	sld [smem:$0x3FFE];
	[sflag:s21] =	ssyncadd.s32 $0xFFFFFFFF  }
0xa2: {  	s24 =	simm.s32 $execute0_lowered;
	[smem:$0x3FD2] =	sst s23  }
0xa3: {  	s3 =	sshll.u32 s24, $0x1;
	_ =	strace $0x80000046;
	[dreg:$0x1] =	wrdreg $0xFFFFFFFF  }
0xa4: {  	s25 =	simm.s32 $_size_execute0_lowered;
	s1 =	sadd.s32 s1, s3;
	[dreg:$0x0] =	wrdreg $0x0  }
0xa5: {  	s3 =	sshll.u32 s25, $0x1;
	[dreg:$0x2] =	wrdreg s1  }
0xa6: {  	[dreg:$0x3] =	wrdreg s3  }
0xa7: {  	[dreg:$0x4] =	wrdreg $0xC0  }
0xa8: {  	_ =	task [dreg:s5], $0x5FFFF  }
0xa9: {  	[dreg:$0x1] =	wrdreg $0xFFFFFFFF  }
0xaa: {  	[dreg:$0x0] =	wrdreg $0x60  }
0xab: {  	[dreg:$0x2] =	wrdreg s22  }
0xac: {  	[dreg:$0x3] =	wrdreg s0  }
0xad: {  	[dreg:$0x4] =	wrdreg $0x9  }
0xae: {  	_ =	task.clear_ibuf [dreg:s5], $0x5FFFF;
	_ =	strace $0x90000046  }
0xaf: {  	s26 =	simm.s32 $0x9;
	_ =	strace $0x80000048  }
0xb0: {  	_ =	swait.ge [sflag:s26], $0x1  }
0xb1: {  	[sflag:s26] =	ssyncadd.s32 $0xFFFFFFFF  }
0xb2: {  	_ =	strace $0x90000048  }
0xb3: {  	_ =	sfence  }
0xb4: {  	s28 =	sld [smem:$0x0];
	_ =	sdelay $0x1  }
0xb5: {  	s29 =	srdreg.scid  }
0xb6: {  	s30 =	sshll.u32 s29, $0xD;
	s31 =	sshrl.u32 s29, $0x2  }
0xb7: {  	s2 =	sand.u32 $0x4000, s30;
	s1 =	sand.u32 $0x1, s29;
	s0 =	sadd.s32 s31, s28  }
0xb8: {  	s1 =	sor.u32 s2, s1;
	s0 =	sshll.u32 s0, $0x11  }
0xb9: {  	s0 =	sor.u32 s0, s1  }
0xba: {  	s0 =	sadd.s32 $0x8F2B, s0  }
0xbb: {  	[sflag:s0] =	ssyncadd.remote.s32 $0x1  }
0xbc: {  	_ =	sfence.sel $0xFFFF  }
0xbd: {  	[dreg:$0x0] =	wrdreg $0xFFFFFFFF;
	(pc) =	sbr.abs _section_cstart, $3  }
0xbe: {  	[dreg:$0x1] =	wrdreg $0xFFFFFFFF  }
0xbf: {  	_ =	task.clear_ibuf [dreg:s5], $0x2FFFF;
	_ =	strace $0x9FFFFFFF  }
0xc0: {  	(tm) =	ssettm $0x7FFFFFFF  }
0xc1: {  	_ =	shalt  }
tec
execute0_lowered:
.L_overlay_start_1:
0x0: {  	(tag) =	ssettag $0x1  }
0x1: {  	s0 =	rddreg [dreg:$0x0];
	_ =	strace $0x80000047;
	s1 =	simm.s32 $0x1  }
0x2: {  	v1 =	vimm.s32 $0xFFFFFFFF;
	[sflag:s1] =	ssyncpa.u1 $0x0  }
0x3: {  	s3 =	stileid.u32;
	[tilespmem:$0x10] =	vst v1  }
0x4: {  	v0 =	vimm.s32 $0x7FFFFFFF;
	s2 =	simm.s32 $0x4000;
	s29 =	simm.s32 $0x2;
	s7 =	simm.s32 $0x7;
	[tilespmem:$0x20] =	vst v1  }
0x5: {  	s8 =	simm.s32 $0x8;
	s30 =	simm.s32 $0x9;
	s16 =	simm.s32 $0x0;
	[tilespmem:$0x30] =	vst v0  }
0x6: {  	s17 =	simm.s32 $0xFFFFE000;
	s18 =	simm.s32 $0xF0;
	s19 =	simm.s32 $0xFFFFFFFF;
	[tilespmem:$0x40] =	vst v0  }
0x7: {  	s20 =	simm.s32 $0xFFFFC100;
	s21 =	simm.s32 $0xFFFFFFFE;
	s28 =	smin.u32 s3, $0x9;
	[tilespmem:$0x50] =	vst v0  }
0x8: {  	s22 =	simm.s32 $0xF;
	p0 =	slt.u32 s3, $0x9;
	[tilespmem:$0x60] =	vst v1;
	s1 =	sadd.s32 s3, s28  }
0x9: {  	s26 =	simm.s32 $0x0;
	[tilespmem:$0x70] =	vst v1;
	s2 =	simm.s32 @!p0 $0x2000;
	s4 =	sshll.u32 s1, $0xD  }
0xa: {  	s25 =	simm.s32 $0x0;
	s11 =	sshll.u32 s3, $0x1;
	[tilespmem:$0x80] =	vst v1;
	s2 =	sadd.s32 s2, s4  }
0xb: {  	s14 =	sshllo.u32 s3, $0x1;
	v1 =	vimm.s32 $0x0;
	[tilespmem:$0xB0] =	vst v0;
	s13 =	sor.u32 $0x81, s11;
	s5 =	smin.u32 s2, $0x32000  }
0xc: {  	s15 =	sor.u32 $0x80, s11;
	[tilespmem:$0x90] =	vst v1;
	s1 =	sadd.s32 $0xC800, s0;
	s2 =	ssub.s32 s5, s4  }
.Ltmp0:
0xd: {  	[tilespmem:$0xA0] =	vst v1;
	[sflag:s29] =	ssyncpa.u1 $0x0;
	p0 =	sgt.s32 s2, $0x0;
	(pc) =	sbr.rel .LBB2_1-.Ltmp0, $4  }
0xe: {  	s0 =	sadd.s32 $0x6400, s0;
	[sflag:s7] =	ssyncpa.u1 $0x0;
	s2 =	simm.s32 @!p0 $0x0  }
0xf: {  	[dreg:$0x3] =	wrdreg s0;
	[sflag:s8] =	ssyncpa.u1 $0x0;
	s9 =	sshrl.u32 s2, $0xD  }
0x10: {  	vm0 =	vmmov $0xffff;
	v2 =	vlaneseq.u32;
	s24 =	smov.u32 s4;
	[sflag:s30] =	ssyncpa.u1 $0x0;
	s31 =	sadd.s32 $0x1, s9  }
0x11: {  	vm1 =	vmxor vm1, vm1;
	vm2 =	vmmov $0x1;
	vm3 =	vcmask $0x3F3C;
	p0 =	por $0x0, $0x0;
	s12 =	sadd.s32 $0x2, s9;
	[dreg:$0x4] =	wrdreg s31  }
.LBB2_9:
0x12: {  	p1 =	slt.u32 s25, $0x3  }
0x13: {  	s0 =	simm.s32 @!p1 $0x2  }
0x14: {  	_ =	swait.ge @!p1 [sflag:s0], $0x2000  }
0x15: {  	[sflag:s0] =	ssyncset.done @!p1 $0x0  }
0x16: {  	[sflag:s0] =	ssyncadd.s32 @!p1 $0xFFFFE000;
	s0 =	simm.s32 @!p1 $0x9  }
0x17: {  	_ =	swait.ge @!p1 [sflag:s0], $0x10  }
0x18: {  	s2 =	sadd.s32 $0x2000, s24;
	[sflag:s0] =	ssyncset.done @!p1 $0x0  }
0x19: {  	[sflag:s0] =	ssyncadd.s32 @!p1 $0xFFFFFFF0;
	p1 =	slt.s32 s2, s5;
	s0 =	smov.u32 s4  }
0x1a: {  	s0 =	smov.u32 @p1 s2;
	p1 =	sne.s32 s25, s12  }
.Ltmp1:
0x1b: {  	_ = 	snop;
	(pc) =	sbr.rel @!p1 .LBB2_10-.Ltmp1, $4  }
0x1c: {  	s31 =	sadd.s32 $0x1, s25  }
0x1d: {  	s17 =	sadd.s32 $0x2000, s17;
	s18 =	sadd.s32 $0x2000, s18;
	s19 =	sadd.s32 $0x1, s19  }
0x1e: {  	s26 =	smov.u32 s24;
	p0 =	por !p0, !p0;
	s20 =	sadd.s32 $0x2000, s20  }
0x1f: {  	s21 =	sadd.s32 $0x1, s21;
	s25 =	smov.u32 s31;
	s24 =	smov.u32 s0  }
.LBB2_1:
0x20: {  	p1 =	sge.u32 s25, s9  }
0x21: {  	s0 =	smulhi.u32 @!p1 $0xAAAAAAAB, s25;
	_ =	sdelay $0x1  }
0x22: {  	s0 =	sshrl.u32 @!p1 s0, $0x1  }
0x23: {  	s0 =	smul.u32 @!p1 $0x3, s0;
	_ =	sdelay $0x1  }
0x24: {  	s0 =	ssub.s32 @!p1 s25, s0  }
0x25: {  	s3 =	rddreg [dreg:$0x1];
	s2 =	sshrl.u32 @!p1 s24, $0x3;
	s0 =	sshll.u32 @!p1 s0, $0xD  }
0x26: {  	s2 =	sadd.s32 @!p1 s3, s2;
	s3 =	sand.u32 @!p1 $0x7, s24;
	s0 =	sor.u32 @!p1 $0x100, s0  }
0x27: {  	[tilespmem:s0], [sflag:$0x7] =	stream.linear.gather @!p1 [hbm4b:s2+s3], $0x2000, $0x38;
	[tilespmem:$0x12120] =	vst v63  }
0x28: {  	s2 =	sadd.s32 $0xFFFFFFFF, s25  }
0x29: {  	p1 =	sge.u32 s2, s9  }
.Ltmp2:
0x2a: {  	_ = 	snop;
	(pc) =	sbr.rel @p1 .LBB2_5-.Ltmp2, $1  }
0x2b: {  	_ =	sdelay $0x3  }
0x2c: {  	s0 =	smulhi.u32 $0xAAAAAAAB, s2;
	_ =	sdelay $0x1  }
0x2d: {  	s0 =	sshrl.u32 s0, $0x1  }
0x2e: {  	s0 =	smul.u32 $0x3, s0;
	_ =	sdelay $0x1  }
0x2f: {  	s0 =	ssub.s32 s2, s0  }
0x30: {  	_ =	swait.ge [sflag:s7], $0x2000;
	s0 =	sshll.u32 s0, $0xD  }
0x31: {  	[sflag:s7] =	ssyncset.done $0x0;
	s0 =	sor.u32 $0x100, s0  }
0x32: {  	[sflag:s7] =	ssyncadd.s32 $0xFFFFE000;
	(ifvalue) =	ssetifvalue $0xFFFFFFFF;
	v3 =	vld.msk [tilespmem:s0+$0x0 ss:$0x1], $0xffff;
	_ =	sdelay $0x2  }
0x33: {  	s29 =	smulhi.u32 $0xAAAAAAAB, s19;
	p1 =	sne.s32 s25, $0x1  }
0x34: {  	v4 =	vimm.s32 @!p1 $0x0  }
0x35: {  	s0 =	sshrl.u32 s29, $0x1;
	v4 =	vperm.xlane @!p1 v3, v4  }
0x36: {  	s3 =	sshll.u32 s25, $0x4;
	s0 =	smul.u32 $0xFFFE8000, s0;
	vm4 =	vlt.u32 v3, $0x18800  }
0x37: {  	s3 =	sand.u32 $0x10, s3;
	v3 =	vnsel vm4, $0xFFFFFFFE, v3;
	vm4 =	vlt.u32 @!p1 v4, $0x18800  }
0x38: {  	s0 =	sshra.s32 s0, $0x2;
	[tilespmem:s3+$0x60] =	vst v3;
	v3 =	vnsel @!p1 vm4, $0xFFFFFFFE, v4  }
0x39: {  	s23 =	sadd.s32 s0, s18;
	[tilespmem:$0x80] =	vst @!p1 v3  }
0x3a: {  	v3 =	vld.msk [tilespmem:s23+$0x0 ss:$0x1], $0xffff;
	_ =	sdelay $0x4  }
0x3b: {  	(xrf1) =	vunique.msk.u32 $0xffff, v3;
	_ =	sdelay $0xd  }
0x3c: {  	v4 =	vimm.s32 $0xFFFFFFFF;
	v5, _, _ =	vpop (xrf1)  }
0x3d: {  	vm5 =	vne.s32 v3, v4;
	vm4 =	veq.s32 v5, v2  }
0x3e: {  	vm6 =	vlt.u32 v3, $0x18800;
	vm4 =	vmand vm5, vm4  }
0x3f: {  	vm4 =	vmand vm6, vm4  }
0x40: {  	v4 =	vnsel vm4, $0xFFFFFFFF, v3;
	_ =	sdelay $0x2  }
0x41: {  	s30 =	sand.u32 $0x2000, s17  }
0x42: {  	s31 =	sshll.u32 s2, $0xD;
	s0 =	sor.u32 $0x80F0, s30;
	(ifvalue) =	ssetifvalue $0xFFFFFFFF  }
0x43: {  	v3 =	vperm.xlane v3, v1;
	[tilespmem:s0], [sflag:$0x8] =	stream.indirect_vreg.gather [hbm4b:s1+s16], $0x1, v4, vm0, $0x4038;
	v4 =	vnsel vm6, $0xFFFFFFFE, v4;
	[tilespmem:$0x12120] =	vst v63  }
0x44: {  	s2 =	sand.u32 $0x2000, s31;
	s6 =	sadd.s32 $0xFFFFFFF0, s23;
	s3 =	simm.s32 $0x0;
	[tilespmem:s23+$0x0] =	vst v4  }
.LBB2_3:
0x45: {  	v4 =	vld.msk [tilespmem:s6+$0x0 ss:$0x1], $0xffff;
	s3 =	sadd.s32 $0x10, s3;
	v5 =	vmov v3;
	s23 =	smov.u32 s6  }
0x46: {  	p1 =	slt.u32 s3, $0x1FF0;
	_ =	sdelay $0x4  }
0x47: {  	v3 =	vperm.xlane v4, v1;
	(xrf1) =	vunique.msk.u32 $0xffff, v4;
	_ =	sdelay $0xd  }
0x48: {  	v6, _, _ =	vpop (xrf1)  }
0x49: {  	vm5 =	vne.s32 v4, v5;
	vm4 =	veq.s32 v6, v2  }
0x4a: {  	vm6 =	vlt.u32 v4, $0x18800;
	vm4 =	vmand vm5, vm4  }
0x4b: {  	vm4 =	vmand vm6, vm4  }
0x4c: {  	v4 =	vnsel vm4, $0xFFFFFFFF, v4  }
.Ltmp3:
0x4d: {  	v5 =	vnsel vm6, $0xFFFFFFFE, v4;
	(pc) =	sbr.rel @p1 .LBB2_3-.Ltmp3, $3  }
0x4e: {  	_ =	sdelay $0x1  }
0x4f: {  	s6 =	sadd.s32 $0xFFFFFFF0, s6;
	s0 =	sadd.s32 $0xFFFFFFF0, s0;
	(ifvalue) =	ssetifvalue $0xFFFFFFFF  }
0x50: {  	[tilespmem:s0], [sflag:$0x8] =	stream.indirect_vreg.gather [hbm4b:s1+s16], $0x1, v4, vm0, $0x4038;
	[tilespmem:s23+$0x0] =	vst v5  }
0x51: {  	s0 =	sshrl.u32 s26, $0x3;
	s3 =	rddreg [dreg:$0x3]  }
0x52: {  	s2 =	sadd.s32 $0xA100, s2;
	s0 =	sadd.s32 s3, s0  }
0x53: {  	[tilespmem:s2], [sflag:$0x8] =	stream.linear.gather [hbm:s0], $0x2000, $0x38;
	[tilespmem:$0x12120] =	vst v63  }
.LBB2_5:
0x54: {  	p1 =	slt.u32 s25, $0x2  }
0x55: {  	p2 =	sge.u32 @!p1 s25, s12  }
0x56: {  	p1 =	por p1, p2  }
.Ltmp4:
0x57: {  	_ = 	snop;
	(pc) =	sbr.rel @p1 .LBB2_9-.Ltmp4, $1  }
0x58: {  	_ =	sdelay $0x3  }
0x59: {  	s0 =	sadd.s32 $0xFFFFFFFE, s25  }
0x5a: {  	s2 =	smulhi.u32 $0xAAAAAAAB, s0;
	_ =	sdelay $0x1  }
0x5b: {  	s2 =	sshrl.u32 s2, $0x1  }
0x5c: {  	s2 =	smul.u32 $0x3, s2  }
0x5d: {  	_ =	swait.ge [sflag:s8], $0x4000  }
0x5e: {  	s10 =	rddreg [dreg:$0x4];
	s0 =	ssub.s32 s0, s2  }
0x5f: {  	[sflag:s8] =	ssyncset.done $0x0;
	p1 =	sne.s32 s25, s10;
	s0 =	sshll.u32 s0, $0xD  }
0x60: {  	[sflag:s8] =	ssyncadd.s32 $0xFFFFC000;
	s2 =	sadd.s32 @!p1 $0x20FF, s0  }
0x61: {  	[spmem:s13] =	stream.linear.scatter @!p1 [tilespmem:s2], [sflag:$0x1], $0x1, $0x38;
	[tilespmem:$0x12120] =	vst v63  }
0x62: {  	s2 =	simm.s32 @!p1 $0x1  }
0x63: {  	_ =	swait.ge @!p1 [sflag:s2], $0x1  }
0x64: {  	s3 =	sshll.u32 s25, $0x4;
	[sflag:s2] =	ssyncset.done @!p1 $0x0  }
0x65: {  	s26 =	sand.u32 $0x10, s3;
	[sflag:s2] =	ssyncadd.s32 @!p1 $0xFFFFFFFF  }
0x66: {  	s2 =	sxor.u32 $0x10, s26;
	v4 =	vld [tilespmem:s26+$0x10]  }
0x67: {  	v5 =	vld [tilespmem:s2+$0x60]  }
0x68: {  	v3 =	vld [tilespmem:$0x80];
	_ =	sdelay $0x2  }
0x69: {  	(v2sf) =	vpush v4, $0x0  }
0x6a: {  	(v2sf) =	vpush v5, $0x0  }
0x6b: {  	(v2sf) =	vpush v3, $0x0;
	_ =	sdelay $0xc  }
0x6c: {  	s23 =	spop (v2sf)  }
0x6d: {  	s6 =	spop (v2sf)  }
0x6e: {  	s29 =	spop (v2sf)  }
0x6f: {  	p3 =	seq.s32 s23, s6;
	p2 =	seq.s32 s29, s23  }
0x70: {  	p2 =	por p3, p2  }
0x71: {  	v4 =	vpsel p2, $0xFFFFFFFF, v4  }
0x72: {  	s6 =	sand.u32 $0x1, s25;
	[tilespmem:s26+$0x10] =	vst.msk $0x1, v4  }
0x73: {  	s30 =	sshll.u32 s6, $0xD;
	v4 =	vld [tilespmem:$0x30]  }
0x74: {  	v5 =	vld [tilespmem:s30+$0xA100]  }
0x75: {  	v6 =	vld [tilespmem:s26+$0x40];
	_ =	sdelay $0x3  }
0x76: {  	vm4 =	vmmov vm1;
	vm6 =	vmmov vm2;
	vm5 =	vlt.s32 v4, v5  }
0x77: {  	vm4 =	vmmov @p3 vm2;
	s3 =	sshll.u32 s6, $0x4;
	v5 =	vsel vm5, v4, v5;
	vm5 =	vlt.s32 v4, v6  }
0x78: {  	s28 =	sor.u32 $0x12100, s3;
	vm6 =	vmmov @p2 vm1;
	v4 =	vsel vm5, v4, v6;
	[tilespmem:s30+$0xA100] =	vst.msk vm4, v5  }
0x79: {  	[tilespmem:s28+$0x0] =	vst.msk vm6, v4  }
0x7a: {  	v4 =	vld [tilespmem:s30+$0x80F0];
	_ =	sdelay $0x4  }
0x7b: {  	v4 =	vshift.insert v4, v1, s22  }
0x7c: {  	s10 =	sor.u32 $0x40, s2  }
0x7d: {  	v5 =	vimm.s32 $0x7FFFFFFF;
	[tilespmem:s10+$0x0] =	vst.msk $0x1, v4  }
0x7e: {  	[tilespmem:s30+$0x80FF] =	vst.msk $0x1, v5  }
0x7f: {  	v4 =	vld [tilespmem:s0+$0x20F0];
	_ =	sdelay $0x2  }
0x80: {  	s23 =	smulhi.u32 $0xAAAAAAAB, s21  }
0x81: {  	s3 =	simm.s32 $0x1  }
0x82: {  	s3 =	simm.s32 @!p0 $0x0;
	s0 =	sshrl.u32 s23, $0x1;
	v4 =	vshift.insert v4, v1, s22  }
0x83: {  	s3 =	sshll.u32 s3, $0xD;
	s0 =	smul.u32 $0xFFFE8000, s0  }
0x84: {  	s6 =	sadd.s32 $0xA100, s3;
	[tilespmem:s2+$0x10] =	vst.msk $0x1, v4  }
0x85: {  	s0 =	sshra.s32 s0, $0x2;
	v6 =	vld [tilespmem:s6+$0x0]  }
0x86: {  	s23 =	sadd.s32 s0, s20  }
0x87: {  	v7 =	vld [tilespmem:s23+$0x0];
	_ =	sdelay $0x2  }
0x88: {  	vm4 =	vlt.s32 v6, v5  }
0x89: {  	v5 =	vsel vm4, v6, v5  }
0x8a: {  	vm4 =	vne.s32 v7, $0xFFFFFFFF;
	v5 =	vxor.u32 $0x80000000, v5  }
0x8b: {  	(xrf0) =	vmin.seg.scan.u32 vm4, v5  }
0x8c: {  	s10 =	sadd.s32 $0x6100, s3  }
0x8d: {  	v8 =	vld [tilespmem:s10+$0x0]  }
0x8e: {  	v6 =	vld [tilespmem:$0xA0];
	_ =	sdelay $0x2  }
0x8f: {  	v5 =	vperm.xlane v4, v1;
	v9, _, _ =	vpop (xrf0)  }
0x90: {  	vm6 =	veq.s32 v7, v3;
	v9 =	vxor.u32 $0x80000000, v9  }
0x91: {  	vm8 =	veq.s32 v7, v5;
	vm5 =	veq.s32 v6, $0x1;
	vm7 =	vlt.s32 v9, v8  }
0x92: {  	vm8 =	vmor vm8, vm6;
	v6 =	vsel vm7, v9, v8;
	vm7 =	vgt.u32 v7, $0xFFFFFFFD  }
0x93: {  	v10 =	vld [tilespmem:$0x90];
	vm9 =	vmand vm4, vm3;
	vm4 =	vmor vm5, vm6;
	vm5 =	vmor vm8, vm7  }
0x94: {  	v8 =	vsel vm5, $0xFFFFFFFF, v7;
	_ =	sdelay $0x1  }
0x95: {  	s31 =	sadd.s32 $0xE100, s3  }
0x96: {  	s3 =	sadd.s32 $0x10, s31;
	s0 =	simm.s32 $0x0;
	s2 =	sadd.s32 $0x10, s6;
	v11 =	vsel vm9, $0x7FFFFFFF, v9;
	v6 =	vsel vm6, v9, v6  }
0x97: {  	s23 =	sadd.s32 $0x10, s23;
	s6 =	sadd.s32 $0x10, s10;
	[tilespmem:s31+$0x0] =	vst v6;
	v6 =	vsel vm6, v9, v10;
	v7 =	vshift.insert v11, v0, s22;
	(ifvalue) =	ssetifvalue $0xFFFFFFFF  }
.LBB2_7:
0x98: {  	[hbm4b:s1+s16] =	stream.indirect_vreg.scatter [tilespmem:s31], [sflag:$0x2], $0x1, v8, vm0, $0x4038;
	[tilespmem:$0x12120] =	vst v63  }
0x99: {  	s0 =	sadd.s32 $0x10, s0;
	s31 =	smov.u32 s3;
	v8 =	vld [tilespmem:s2+$0x0]  }
0x9a: {  	p2 =	slt.u32 s0, $0x1FF0  }
0x9b: {  	v9 =	vld [tilespmem:s23+$0x0];
	_ =	sdelay $0x2  }
0x9c: {  	vm5 =	vlt.s32 v8, v7  }
0x9d: {  	v7 =	vsel vm5, v8, v7  }
0x9e: {  	vm5 =	vne.s32 v9, $0xFFFFFFFF;
	v7 =	vxor.u32 $0x80000000, v7  }
0x9f: {  	(xrf0) =	vmin.seg.scan.u32 vm5, v7;
	_ =	sdelay $0x2  }
0xa0: {  	v7 =	vld [tilespmem:s6+$0x0];
	_ =	sdelay $0x1  }
0xa1: {  	vm6 =	veq.s32 v9, v3;
	vm7 =	veq.s32 v9, v5  }
0xa2: {  	vm8 =	vgt.u32 v9, $0xFFFFFFFD;
	vm4 =	vmor vm4, vm6;
	vm7 =	vmor vm7, vm6;
	v8, _, _ =	vpop (xrf0)  }
0xa3: {  	vm5 =	vmand vm5, vm3;
	vm7 =	vmor vm7, vm8;
	v10 =	vxor.u32 $0x80000000, v8  }
.Ltmp5:
0xa4: {  	v8 =	vsel vm7, $0xFFFFFFFF, v9;
	vm7 =	vlt.s32 v10, v7;
	v9 =	vsel vm5, $0x7FFFFFFF, v10;
	(pc) =	sbr.rel @p2 .LBB2_7-.Ltmp5, $4  }
0xa5: {  	v6 =	vsel vm6, v10, v6;
	v11 =	vsel vm7, v10, v7;
	v7 =	vshift.insert v9, v0, s22  }
0xa6: {  	v9 =	vsel vm6, v10, v11  }
0xa7: {  	s2 =	sadd.s32 $0x10, s2;
	s23 =	sadd.s32 $0x10, s23;
	[tilespmem:s3+$0x0] =	vst v9  }
0xa8: {  	s6 =	sadd.s32 $0x10, s6;
	s3 =	sadd.s32 $0x10, s3;
	(ifvalue) =	ssetifvalue $0xFFFFFFFF  }
0xa9: {  	_ =	sdelay $0x3  }
0xaa: {  	[hbm4b:s1+s16] =	stream.indirect_vreg.scatter [tilespmem:s31], [sflag:$0x2], $0x1, v8, vm0, $0x4038;
	[tilespmem:$0x12120] =	vst v63  }
0xab: {  	v3 =	vld [tilespmem:s30+$0x100F0];
	_ =	sdelay $0x4  }
0xac: {  	v3 =	vshift.insert v3, v1, s22  }
0xad: {  	s0 =	simm.s32 $0x30  }
0xae: {  	[tilespmem:s0+$0x0] =	vst.msk $0x1, v3  }
0xaf: {  	v3 =	vsel vm4, $0x1, v1;
	[tilespmem:$0x90] =	vst v6  }
0xb0: {  	s0 =	sadd.s32 @!p1 $0x100FF, s30;
	[tilespmem:$0xA0] =	vst v3  }
0xb1: {  	[spmem:s14] =	stream.linear.scatter @!p1 [tilespmem:s0], [sflag:$0x1], $0x1, $0x38;
	[tilespmem:$0x12120] =	vst v63  }
0xb2: {  	s0 =	simm.s32 @!p1 $0x1  }
0xb3: {  	v3 =	vmctz.xlane @!p1 vm4;
	_ =	swait.ge @!p1 [sflag:s0], $0x1  }
0xb4: {  	(v2sf) =	vpush @!p1 v4, $0x0  }
0xb5: {  	(v2sf) =	vpush @!p1 v3, $0x0;
	_ =	sdelay $0xd  }
0xb6: {  	s2 =	spop @!p1 (v2sf)  }
0xb7: {  	s3 =	spop @!p1 (v2sf)  }
0xb8: {  	p2 =	sne.s32 @!p1 s29, s2;
	p3 =	slt.s32 @!p1 s3, $0xF  }
0xb9: {  	[sflag:s0] =	ssyncset.done @!p1 $0x0;
	p2 =	por p2, p1;
	p3 =	por !p3, p1  }
0xba: {  	[sflag:s0] =	ssyncadd.s32 @!p1 $0xFFFFFFFF;
	v3 =	vimm.s32 @!p2 $0xFFFFFFFF;
	s3 =	simm.s32 @p3 $0xF  }
0xbb: {  	[tilespmem:$0x80] =	vst @!p2 v3;
	s2 =	sadd.s32 @!p1 $0x90, s3  }
0xbc: {  	[spmem:s11] =	stream.linear.scatter @!p1 [tilespmem:s2], [sflag:$0x1], $0x1, $0x38;
	[tilespmem:$0x12120] =	vst v63  }
0xbd: {  	_ =	swait.ge @!p1 [sflag:s0], $0x1  }
0xbe: {  	[sflag:s0] =	ssyncset.done @!p1 $0x0  }
0xbf: {  	s2 =	simm.s32 @!p1 $0x80;
	[sflag:s0] =	ssyncadd.s32 @!p1 $0xFFFFFFFF  }
0xc0: {  	[spmem:s15] =	stream.linear.scatter @!p1 [tilespmem:s2], [sflag:$0x1], $0x1, $0x38;
	[tilespmem:$0x12120] =	vst v63  }
0xc1: {  	_ =	swait.ge @!p1 [sflag:s0], $0x1  }
0xc2: {  	[sflag:s0] =	ssyncset.done @!p1 $0x0  }
0xc3: {  	[sflag:s0] =	ssyncadd.s32 @!p1 $0xFFFFFFFF;
	(ifvalue) =	ssetifvalue $0xFFFFFFFF;
	v3 =	vld [tilespmem:s26+$0x10];
	_ =	sdelay $0x3  }
.Ltmp6:
0xc4: {  	_ = 	snop;
	(pc) =	sbr.rel .LBB2_9-.Ltmp6, $3  }
0xc5: {  	_ =	sdelay $0x1  }
0xc6: {  	(ifvalue) =	ssetifvalue $0xFFFFFFFF  }
0xc7: {  	[hbm4b:s1+s16] =	stream.indirect_vreg.scatter [tilespmem:s28], [sflag:$0x9], $0x1, v3, vm0, $0x4038;
	[tilespmem:$0x12120] =	vst v63  }
.LBB2_10:
0xc8: {  	_ =	sfence.sel $0x180000  }
0xc9: {  	s0 =	simm.s32 $0x7;
	[bflag:$0x0] =	sbarrier.arrive $0xFFFF  }
0xca: {  	s26 =	simm.s32 $0x8;
	[sflag:s0] =	ssyncpa.u1 $0x1  }
0xcb: {  	s28 =	simm.s32 $0x9;
	[sflag:s26] =	ssyncpa.u1 $0x1  }
0xcc: {  	[sflag:s28] =	ssyncpa.u1 $0x1  }
0xcd: {  	_ =	sfence.stream.spmem  }
0xce: {  	s29 =	simm.s32 $0x3;
	[bflag:$0x0] =	sbarrier.arrive $0xFFFF  }
0xcf: {  	s30 =	simm.s32 $0x4;
	[sflag:s29] =	ssyncpa.u1 $0x1  }
0xd0: {  	s31 =	simm.s32 $0x3C;
	s2 =	stileid.u32;
	[sflag:s30] =	ssyncpa.u1 $0x1  }
0xd1: {  	p0 =	sne.s32 s2, $0x0;
	[sflag:s31] =	ssyncpa.u1 $0x1  }
0xd2: {  	s0 =	simm.s32 @p0 $0x1;
	_ =	sfence @p0  }
0xd3: {  	[sflag:s0] =	ssyncpa.u1 @p0 $0x1;
	s0 =	simm.s32 @p0 $0x2  }
0xd4: {  	[sflag:s0] =	ssyncpa.u1 @p0 $0x1  }
0xd5: {  	_ =	strace @p0 $0x90000047  }
0xd6: {  	[bflag:$0x2] =	sbarrier.arrive @p0 $0xFFFF  }
0xd7: {  	_ =	shalt @p0  }
.LBB2_11:
0xd8: {  	_ =	sfence.stream.spmem;
	s0 =	simm.s32 $0x5  }
0xd9: {  	s2 =	simm.s32 $0x80;
	s3 =	simm.s32 $0xC0;
	[sflag:s0] =	ssyncpa.u1 $0x0  }
0xda: {  	[tilespmem:s3], [sflag:$0x5] =	stream.linear.gather [spmem:s2], $0x20, $0x38;
	[tilespmem:$0x12120] =	vst v63  }
0xdb: {  	s30 =	simm.s32 $0xE0;
	s2 =	simm.s32 $0x0  }
0xdc: {  	[tilespmem:s30], [sflag:$0x5] =	stream.linear.gather [spmem:s2], $0x20, $0x38;
	[tilespmem:$0x12120] =	vst v63  }
.Ltmp7:
0xdd: {  	_ = 	snop;
	(pc) =	sbr.rel .LBB2_12-.Ltmp7, $4  }
0xde: {  	_ =	swait.ge [sflag:s0], $0x40  }
0xdf: {  	[sflag:s0] =	ssyncset.done $0x0  }
0xe0: {  	s31 =	simm.s32 $0x6;
	[sflag:s0] =	ssyncadd.s32 $0xFFFFFFC0  }
0xe1: {  	s3 =	simm.s32 $0x0;
	[sflag:s31] =	ssyncpa.u1 $0x0  }
.LBB2_17:
0xe2: {  	p0 =	sgt.u32 s4, $0x187FF  }
0xe3: {  	s0 =	sshrl.u32 @!p0 s4, $0x3  }
0xe4: {  	s4 =	sand.u32 @!p0 $0x7, s4;
	s5 =	simm.s32 @!p0 $0xB0;
	s0 =	sadd.s32 @!p0 s1, s0  }
0xe5: {  	[tilespmem:s5], [sflag:$0x6] =	stream.linear.gather @!p0 [hbm4b:s0+s4], $0x1, $0x38;
	[tilespmem:$0x12120] =	vst v63  }
0xe6: {  	s0 =	simm.s32 @!p0 $0x6  }
0xe7: {  	_ =	swait.ge @!p0 [sflag:s0], $0x1  }
0xe8: {  	[sflag:s0] =	ssyncset.done @!p0 $0x0  }
0xe9: {  	[sflag:s0] =	ssyncadd.s32 @!p0 $0xFFFFFFFF  }
0xea: {  	v1 =	vld.msk @!p0 [tilespmem:$0xB0], $0x1  }
0xeb: {  	v2 =	vld.msk @!p0 [tilespmem:s3+$0xE0], $0x1;
	_ =	sdelay $0x4  }
0xec: {  	vm0 =	vlt.s32 @!p0 v2, v1  }
0xed: {  	v1 =	vsel @!p0 vm0, v2, v1  }
0xee: {  	[tilespmem:s3+$0xE0] =	vst.msk @!p0 $0x1, v1  }
0xef: {  	[tilespmem:s2+$0xC0] =	vst.msk $0x1, v0  }
0xf0: {  	v0 =	vld.msk [tilespmem:s3+$0xE0], $0x1;
	_ =	sdelay $0x4  }
0xf1: {  	[tilespmem:s2+$0xE0] =	vst.msk $0x1, v0;
	s2 =	sadd.s32 $0x1, s2  }
.LBB2_19:
0xf2: {  	s3 =	sadd.s32 $0x1, s3  }
0xf3: {  	p0 =	sne.s32 s3, $0x20  }
.Ltmp8:
0xf4: {  	_ = 	snop;
	(pc) =	sbr.rel @!p0 .LBB2_20-.Ltmp8, $1  }
0xf5: {  	_ =	sdelay $0x3  }
.LBB2_12:
0xf6: {  	v0 =	vld.msk [tilespmem:s3+$0xC0], $0x1;
	_ =	sdelay $0x4  }
0xf7: {  	(v2sf) =	vpush v0, $0x0;
	_ =	sdelay $0xe  }
0xf8: {  	s4 =	spop (v2sf)  }
0xf9: {  	p0 =	seq.s32 s4, $0xFFFFFFFF  }
.Ltmp9:
0xfa: {  	_ = 	snop;
	(pc) =	sbr.rel @p0 .LBB2_19-.Ltmp9, $1  }
0xfb: {  	_ =	sdelay $0x3  }
0xfc: {  	p0 =	slt.s32 s2, $0x1  }
.Ltmp10:
0xfd: {  	_ = 	snop;
	(pc) =	sbr.rel @p0 .LBB2_17-.Ltmp10, $1  }
0xfe: {  	_ =	sdelay $0x3  }
0xff: {  	s0 =	simm.s32 $0xC0;
	p0 =	por $0x0, $0x0  }
0x100: {  	v1 =	vld.msk @!p0 [tilespmem:s0+$0x0], $0x1;
	_ =	sdelay $0x4  }
0x101: {  	(v2sf) =	vpush @!p0 v1, $0x0;
	_ =	sdelay $0xd  }
0x102: {  	p2 =	sne.s32 s2, $0x1  }
.Ltmp11:
0x103: {  	s5 =	spop @!p0 (v2sf);
	(pc) =	sbr.rel @!p2 .LBB2_16-.Ltmp11, $4  }
0x104: {  	p1 =	seq.s32 @!p0 s4, s5  }
0x105: {  	s5 =	simm.s32 $0x0;
	p1 =	por !p1, p0  }
0x106: {  	s7 =	simm.s32 $0xFFFFFFFF;
	s5 =	simm.s32 @p1 $0xFFFFFFFF  }
0x107: {  	s6 =	simm.s32 $0x1;
	s5 =	smov.u32 @p0 s7  }
.LBB2_15:
0x108: {  	s7 =	smov.u32 s5;
	p0 =	sne.s32 s5, $0xFFFFFFFF  }
0x109: {  	s0 =	sadd.s32 $0x1, s0;
	s5 =	smov.u32 s6;
	s6 =	sadd.s32 $0x1, s6  }
0x10a: {  	p1 =	sne.s32 s2, s6;
	v1 =	vld.msk @!p0 [tilespmem:s0+$0x0], $0x1;
	_ =	sdelay $0x4  }
0x10b: {  	(v2sf) =	vpush @!p0 v1, $0x0;
	_ =	sdelay $0xe  }
.Ltmp12:
0x10c: {  	s8 =	spop @!p0 (v2sf);
	(pc) =	sbr.rel @p1 .LBB2_15-.Ltmp12, $4  }
0x10d: {  	p2 =	seq.s32 @!p0 s4, s8  }
0x10e: {  	p2 =	por !p2, p0  }
0x10f: {  	s5 =	simm.s32 @p2 $0xFFFFFFFF  }
0x110: {  	s5 =	smov.u32 @p0 s7  }
.LBB2_16:
0x111: {  	p0 =	sne.s32 s5, $0xFFFFFFFF  }
.Ltmp13:
0x112: {  	_ = 	snop;
	(pc) =	sbr.rel @!p0 .LBB2_17-.Ltmp13, $1  }
0x113: {  	_ =	sdelay $0x3  }
0x114: {  	v0 =	vld.msk [tilespmem:s3+$0xE0], $0x1  }
0x115: {  	v1 =	vld.msk [tilespmem:s5+$0xE0], $0x1;
	_ =	sdelay $0x2  }
.Ltmp14:
0x116: {  	_ = 	snop;
	(pc) =	sbr.rel .LBB2_19-.Ltmp14, $4  }
0x117: {  	_ = 	snop  }
0x118: {  	vm0 =	vlt.s32 v1, v0  }
0x119: {  	v0 =	vsel vm0, v1, v0  }
0x11a: {  	[tilespmem:s5+$0xE0] =	vst.msk $0x1, v0  }
.LBB2_20:
0x11b: {  	p0 =	slt.s32 s2, $0x1  }
.Ltmp15:
0x11c: {  	_ = 	snop;
	(pc) =	sbr.rel @p0 .LBB2_24-.Ltmp15, $3  }
0x11d: {  	_ =	sdelay $0x1  }
0x11e: {  	s0 =	simm.s32 $0x6  }
0x11f: {  	[sflag:s0] =	ssyncpa.u1 $0x1;
	s0 =	simm.s32 $0x0  }
0x120: {  	s3 =	simm.s32 $0xC0  }
0x121: {  	v0 =	vld.msk [tilespmem:s3+$0x0], $0x1;
	_ =	sdelay $0x4  }
0x122: {  	(v2sf) =	vpush v0, $0x0;
	_ =	sdelay $0xe  }
0x123: {  	s2 =	sadd.s32 $0xFFFFFFFF, s2;
	s4 =	spop (v2sf)  }
0x124: {  	p1 =	sne.s32 s2, $0x0;
	p0 =	sgt.u32 s4, $0x187FF  }
.Ltmp16:
0x125: {  	s5 =	sshrl.u32 @!p0 s4, $0x3;
	(pc) =	sbr.rel @!p1 .LBB2_23-.Ltmp16, $4  }
0x126: {  	s3 =	simm.s32 $0xE0;
	s4 =	sand.u32 @!p0 $0x7, s4;
	s5 =	sadd.s32 @!p0 s1, s5  }
0x127: {  	[hbm4b:s5+s4] =	stream.linear.scatter @!p0 [tilespmem:s3], [sflag:$0x5], $0x1, $0x38;
	[tilespmem:$0x12120] =	vst v63  }
0x128: {  	s5 =	simm.s32 $0x0  }
0x129: {  	s4 =	simm.s32 $0xC1;
	s5 =	simm.s32 @!p0 $0x4  }
.LBB2_22:
0x12a: {  	v0 =	vld.msk [tilespmem:s4+$0x0], $0x1;
	s2 =	sadd.s32 $0xFFFFFFFF, s2;
	s0 =	sadd.s32 s0, s5  }
0x12b: {  	p0 =	sne.s32 s2, $0x0;
	_ =	sdelay $0x3  }
0x12c: {  	(v2sf) =	vpush v0, $0x0;
	_ =	sdelay $0xe  }
.Ltmp17:
0x12d: {  	s6 =	spop (v2sf);
	(pc) =	sbr.rel @p0 .LBB2_22-.Ltmp17, $4  }
0x12e: {  	s5 =	simm.s32 $0x0;
	p1 =	sgt.u32 s6, $0x187FF  }
0x12f: {  	s3 =	sadd.s32 $0x1, s3;
	s5 =	simm.s32 @!p1 $0x4;
	s7 =	sshrl.u32 @!p1 s6, $0x3  }
0x130: {  	s4 =	sadd.s32 $0x1, s4;
	s6 =	sand.u32 @!p1 $0x7, s6;
	s7 =	sadd.s32 @!p1 s1, s7  }
0x131: {  	[hbm4b:s7+s6] =	stream.linear.scatter @!p1 [tilespmem:s3], [sflag:$0x5], $0x1, $0x38;
	[tilespmem:$0x12120] =	vst v63  }
.LBB2_23:
0x132: {  	s0 =	sadd.s32 s0, s5  }
0x133: {  	s0 =	sshrl.u32 s0, $0x2  }
.LBB2_24:
0x134: {  	s1 =	simm.s32 $0x5  }
0x135: {  	_ =	swait.ge [sflag:s1], s0  }
0x136: {  	s28 =	ssub.s32 $0x0, s0;
	[sflag:s1] =	ssyncset.done $0x0  }
0x137: {  	[sflag:s1] =	ssyncadd.s32 s28  }
0x138: {  	[sflag:s1] =	ssyncpa.u1 $0x1  }
0x139: {  	s29 =	simm.s32 $0x1;
	_ =	sfence  }
0x13a: {  	s30 =	simm.s32 $0x2;
	[sflag:s29] =	ssyncpa.u1 $0x1  }
0x13b: {  	[sflag:s30] =	ssyncpa.u1 $0x1  }
0x13c: {  	_ =	strace $0x90000047  }
0x13d: {  	[bflag:$0x2] =	sbarrier.arrive $0xFFFF  }
0x13e: {  	s31 =	rddreg [dreg:$0x2]  }
0x13f: {  	s0 =	sadd.s32 $0x100000, s31  }
0x140: {  	[sflag:s0] =	ssyncadd.tile.s32 $0x1;
	_ =	shalt  }
.Lfunc_end2:
_tile_overlayer_lowered:
.L_overlay_start_2:
0x141: {  	(tag) =	ssettag $0x2  }
0x142: {  	s0 =	rddreg [dreg:$0x0];
	s2 =	stileid.u32  }
0x143: {  	s1 =	rddreg [dreg:$0x1];
	p0 =	sne.s32 s2, $0x0  }
0x144: {  	s3 =	rddreg [dreg:$0x2];
	[bflag:$0x3] =	sbarrier.arrive $0xFFFF;
	s2 =	simm.s32 @!p0 $0x1C01  }
0x145: {  	[timem:s3], [sflag:s2] =	dma.local @!p0 [hbm:s0], s1  }
0x146: {  	s0 =	simm.s32 @!p0 $0x1  }
0x147: {  	_ =	swait.ge @!p0 [sflag:s0], s1  }
0x148: {  	s1 =	ssub.s32 @!p0 $0x0, s1;
	[sflag:s0] =	ssyncset.done @!p0 $0x0  }
0x149: {  	[sflag:s0] =	ssyncadd.s32 @!p0 s1  }
0x14a: {  	[bflag:$0x3] =	sbarrier.arrive $0xFFFF  }
0x14b: {  	_ =	shalt  }

</sc_bundles>
